<compile_context>
chip_gen: v7x
topology: tpu7x:2x2x1
jax: 0.10.2.dev20260603
libtpu: 0.0.44.dev20260713+nightly
codegen_flags: <defaults>
</compile_context>

<pallas_src>
import functools

import jax
import jax.numpy as jnp
from jax import lax
from jax.experimental import pallas as pl
from jax.experimental.pallas import tpu as pltpu
from jax.experimental.pallas import tpu_sc as plsc

N = 10000
NPAD = 10240
E = 320000
D = 128
F = 16

NC = 2
NS = 16
NW = NC * NS
CHUNK = 128
NCHUNK = 80
EPT = NCHUNK * CHUNK
E_PAD = NW * EPT
NALLOC = NCHUNK + 2
ROWS_PT = NPAD // NS

_mesh = plsc.VectorSubcoreMesh(core_axis_name="c", subcore_axis_name="s")
_sc_params = pltpu.CompilerParams(use_tc_tiling_on_sc=False)


@functools.partial(
    pl.kernel,
    out_type=jax.ShapeDtypeStruct((NC, NPAD), jnp.float32),
    mesh=_mesh,
    scratch_types=[
        pltpu.VMEM_SHARED((NPAD,), jnp.float32),
        pltpu.VMEM((2, CHUNK), jnp.int32),
        pltpu.VMEM((2, CHUNK), jnp.int32),
        pltpu.VMEM((CHUNK,), jnp.float32),
        pltpu.VMEM((ROWS_PT,), jnp.float32),
        pltpu.SemaphoreType.DMA,
        pltpu.SemaphoreType.DMA,
    ],
    compiler_params=_sc_params,
)
def _sc_degree(eidx_hbm, out_hbm, acc, ib0, ib1, ones, stage, si0, si1):
    c = lax.axis_index("c")
    s = lax.axis_index("s")
    w = c * NS + s
    ibs, sis = (ib0, ib1), (si0, si1)

    def _fill(i, _):
        stage[pl.ds(i * 16, 16)] = jnp.zeros((16,), jnp.float32)
        return 0
    lax.fori_loop(0, ROWS_PT // 16, _fill, 0)

    def _fill1(i, _):
        ones[pl.ds(i * 16, 16)] = jnp.ones((16,), jnp.float32)
        return 0
    lax.fori_loop(0, CHUNK // 16, _fill1, 0)

    pltpu.sync_copy(stage, acc.at[pl.ds(s * ROWS_PT, ROWS_PT)])
    plsc.subcore_barrier()

    pltpu.async_copy(eidx_hbm.at[w, 0], ib0, si0)
    pltpu.async_copy(eidx_hbm.at[w, 1], ib1, si1)

    def _pair(i, _):
        for b in (0, 1):
            k = 2 * i + b
            ib, si = ibs[b], sis[b]
            pltpu.make_async_copy(eidx_hbm.at[w, 0], ib, si).wait()
            pltpu.sync_copy(ones, acc.at[ib.at[1]], add=True)
            pltpu.async_copy(eidx_hbm.at[w, k + 2], ib, si)
        return 0
    lax.fori_loop(0, NCHUNK // 2, _pair, 0)
    pltpu.make_async_copy(eidx_hbm.at[w, 0], ib0, si0).wait()
    pltpu.make_async_copy(eidx_hbm.at[w, 0], ib1, si1).wait()

    plsc.subcore_barrier()
    pltpu.sync_copy(acc.at[pl.ds(s * ROWS_PT, ROWS_PT)], stage)
    pltpu.sync_copy(stage, out_hbm.at[c, pl.ds(s * ROWS_PT, ROWS_PT)])


@functools.partial(
    pl.kernel,
    out_type=jax.ShapeDtypeStruct((NC, NPAD, F), jnp.float32),
    mesh=_mesh,
    scratch_types=[
        pltpu.VMEM_SHARED((NPAD, F), jnp.float32),
        pltpu.VMEM((2, CHUNK), jnp.int32),
        pltpu.VMEM((2, CHUNK), jnp.int32),
        pltpu.VMEM((CHUNK, F), jnp.float32),
        pltpu.VMEM((CHUNK, F), jnp.float32),
        pltpu.SemaphoreType.DMA,
        pltpu.SemaphoreType.DMA,
        pltpu.SemaphoreType.DMA,
        pltpu.SemaphoreType.DMA,
    ],
    compiler_params=_sc_params,
)
def _sc_edge_pass(y_hbm, eidx_hbm, out_hbm,
                  acc, ib0, ib1, r0, r1, si0, si1, sg0, sg1):
    c = lax.axis_index("c")
    s = lax.axis_index("s")
    w = c * NS + s
    ibs, rs, sis, sgs = (ib0, ib1), (r0, r1), (si0, si1), (sg0, sg1)

    def _fill(i, _):
        r0[i, :] = jnp.zeros((16,), jnp.float32)
        return 0
    lax.fori_loop(0, CHUNK, _fill, 0)

    def _zinit(j, _):
        pltpu.sync_copy(r0, acc.at[pl.ds(s * ROWS_PT + j * CHUNK, CHUNK)])
        return 0
    lax.fori_loop(0, ROWS_PT // CHUNK, _zinit, 0)
    plsc.subcore_barrier()

    pltpu.async_copy(eidx_hbm.at[w, 0], ib0, si0)
    pltpu.async_copy(eidx_hbm.at[w, 1], ib1, si1)
    pltpu.make_async_copy(eidx_hbm.at[w, 0], ib0, si0).wait()
    pltpu.async_copy(y_hbm.at[ib0.at[0]], r0, sg0)

    def _pair(i, _):
        for b in (0, 1):
            k = 2 * i + b
            b1 = 1 - b
            pltpu.make_async_copy(eidx_hbm.at[w, 0], ibs[b1], sis[b1]).wait()
            pltpu.async_copy(y_hbm.at[ibs[b1].at[0]], rs[b1], sgs[b1])
            pltpu.make_async_copy(y_hbm.at[ibs[b].at[0]], rs[b], sgs[b]).wait()
            pltpu.sync_copy(rs[b], acc.at[ibs[b].at[1]], add=True)
            pltpu.async_copy(eidx_hbm.at[w, k + 2], ibs[b], sis[b])
        return 0
    lax.fori_loop(0, NCHUNK // 2, _pair, 0)
    pltpu.make_async_copy(y_hbm.at[ib0.at[0]], r0, sg0).wait()
    pltpu.make_async_copy(eidx_hbm.at[w, 0], ib1, si1).wait()

    plsc.subcore_barrier()

    def _copyout(j, _):
        sl = pl.ds(s * ROWS_PT + j * CHUNK, CHUNK)
        pltpu.sync_copy(acc.at[sl], r0)
        pltpu.sync_copy(r0, out_hbm.at[c, sl])
        return 0
    lax.fori_loop(0, ROWS_PT // CHUNK, _copyout, 0)


BLK = 1000


def _tc_prep_body(x_ref, w_ref, d0_ref, d1_ref, y_ref):
    dinv = lax.rsqrt(d0_ref[...] + d1_ref[...] + 1.0)
    xw = jnp.dot(x_ref[...], w_ref[...], preferred_element_type=jnp.float32)
    y_ref[...] = xw * dinv


def _tc_mid_body(p0_ref, p1_ref, y1_ref, d0_ref, d1_ref, b_ref, w_ref, y2_ref):
    dinv = lax.rsqrt(d0_ref[...] + d1_ref[...] + 1.0)
    h = jnp.maximum(dinv * (p0_ref[...] + p1_ref[...] + y1_ref[...]) + b_ref[...], 0.0)
    xw2 = jnp.dot(h, w_ref[...], preferred_element_type=jnp.float32)
    y2_ref[...] = xw2 * dinv


def _tc_final_body(p0_ref, p1_ref, y2_ref, d0_ref, d1_ref, b_ref, o_ref):
    dinv = lax.rsqrt(d0_ref[...] + d1_ref[...] + 1.0)
    o_ref[...] = jnp.maximum(
        dinv * (p0_ref[...] + p1_ref[...] + y2_ref[...]) + b_ref[...], 0.0)


def _row_spec(blk, width):
    return pl.BlockSpec((blk, width), lambda i: (i, 0))


def _full_spec(shape):
    return pl.BlockSpec(shape, lambda i: (0, 0))


def kernel(x, edge_index, W1, b1, W2, b2):
    ei = edge_index.astype(jnp.int32)
    srcr = jnp.concatenate([ei[0], jnp.zeros((E_PAD - E,), jnp.int32)])
    dstr = jnp.concatenate([ei[1], jnp.full((E_PAD - E,), N, jnp.int32)])
    eidx = jnp.pad(
        jnp.stack([srcr.reshape(NW, NCHUNK, CHUNK),
                   dstr.reshape(NW, NCHUNK, CHUNK)], axis=2),
        ((0, 0), (0, NALLOC - NCHUNK), (0, 0), (0, 0)))
    b1r = b1.reshape(1, F)
    b2r = b2.reshape(1, F)

    deg_parts = _sc_degree(eidx)
    d0 = deg_parts[0].reshape(NPAD, 1)
    d1 = deg_parts[1].reshape(NPAD, 1)

    y1 = pl.pallas_call(
        _tc_prep_body,
        grid=(N // BLK,),
        in_specs=[_row_spec(BLK, D), _full_spec((D, F)),
                  _row_spec(BLK, 1), _row_spec(BLK, 1)],
        out_specs=_row_spec(BLK, F),
        out_shape=jax.ShapeDtypeStruct((N, F), jnp.float32),
    )(x, W1, d0, d1)

    p = _sc_edge_pass(y1, eidx)

    y2 = pl.pallas_call(
        _tc_mid_body,
        grid=(N // BLK,),
        in_specs=[_row_spec(BLK, F), _row_spec(BLK, F), _row_spec(BLK, F),
                  _row_spec(BLK, 1), _row_spec(BLK, 1),
                  _full_spec((1, F)), _full_spec((F, F))],
        out_specs=_row_spec(BLK, F),
        out_shape=jax.ShapeDtypeStruct((N, F), jnp.float32),
    )(p[0], p[1], y1, d0, d1, b1r, W2)

    q = _sc_edge_pass(y2, eidx)

    out = pl.pallas_call(
        _tc_final_body,
        grid=(N // BLK,),
        in_specs=[_row_spec(BLK, F), _row_spec(BLK, F), _row_spec(BLK, F),
                  _row_spec(BLK, 1), _row_spec(BLK, 1), _full_spec((1, F))],
        out_specs=_row_spec(BLK, F),
        out_shape=jax.ShapeDtypeStruct((N, F), jnp.float32),
    )(q[0], q[1], y2, d0, d1, b2r)

    return out

# --- scband reference (transcript-rebuilt; emitter-appended) ---
"""Pipeline reference for scband-simple-conv-62079457296944 (READ-ONLY COPY).

The authoritative reference and input builder live on the scoring server;
editing this copy changes nothing except your own understanding.
"""

import jax, jax.numpy as jnp
import numpy as np

NUM_NODES = 10000
NUM_EDGES = 320000
D_FEAT = 128
DIM = 16
HIDDEN = 16


def gcn_conv(x, edge_index, W, b, num_nodes):
    # Faithful PyG GCNConv: out = D^{-1/2} (A + I) D^{-1/2} X W + b
    src = edge_index[0]
    dst = edge_index[1]
    loop = jnp.arange(num_nodes, dtype=edge_index.dtype)
    src = jnp.concatenate([src, loop])
    dst = jnp.concatenate([dst, loop])
    xw = x @ W
    deg = jnp.zeros((num_nodes,), dtype=x.dtype).at[dst].add(1.0)
    deg_inv_sqrt = jnp.where(deg > 0, deg ** -0.5, 0.0)
    norm = deg_inv_sqrt[src] * deg_inv_sqrt[dst]
    msgs = xw[src] * norm[:, None]
    out = jnp.zeros((num_nodes, W.shape[1]), dtype=x.dtype).at[dst].add(msgs)
    return out + b


def setup_inputs(seed: int = 0) -> dict:
    key = jax.random.key(seed)
    k1, k2, k3, k4 = jax.random.split(key, 4)
    x = jax.random.normal(k1, (NUM_NODES, D_FEAT), dtype=jnp.float32)
    edge_index = jax.random.randint(k2, (2, NUM_EDGES), 0, NUM_NODES, dtype=jnp.int64)
    # Glorot-style init like PyG GCNConv
    s1 = float(np.sqrt(6.0 / (D_FEAT + DIM)))
    W1 = jax.random.uniform(k3, (D_FEAT, DIM), minval=-s1, maxval=s1, dtype=jnp.float32)
    b1 = jnp.zeros((DIM,), dtype=jnp.float32)
    s2 = float(np.sqrt(6.0 / (DIM + HIDDEN)))
    W2 = jax.random.uniform(k4, (DIM, HIDDEN), minval=-s2, maxval=s2, dtype=jnp.float32)
    b2 = jnp.zeros((HIDDEN,), dtype=jnp.float32)
    return {"x": x, "edge_index": edge_index, "W1": W1, "b1": b1, "W2": W2, "b2": b2}


def reference(x, edge_index, W1, b1, W2, b2):
    h = jax.nn.relu(gcn_conv(x, edge_index, W1, b1, NUM_NODES))
    out = jax.nn.relu(gcn_conv(h, edge_index, W2, b2, NUM_NODES))
    return out

if __name__ == "__main__":
    import jax
    _d = setup_inputs()
    print(jax.jit(kernel)(*tuple(_d.values())))

</pallas_src>

<mosaic_0001>
#map = affine_map<(d0, d1) -> (0, 0)>
#map1 = affine_map<(d0, d1) -> (0, 0, 0, 0)>
#map2 = affine_map<(d0, d1) -> (0, 0, 0)>
module attributes {stable_mosaic.version = 14 : i64} {
  func.func @_sc_edge_pass(%arg0: i32, %arg1: i32, %arg2: memref<10000x16xf32, #tpu.memory_space<hbm>>, %arg3: memref<32x82x2x128xi32, #tpu.memory_space<hbm>>, %arg4: memref<2x10240x16xf32, #tpu.memory_space<hbm>>, %arg5: memref<10240x16xf32, #tpu.memory_space<vmem_shared>>, %arg6: memref<2x128xi32, #tpu.memory_space<vmem>>, %arg7: memref<2x128xi32, #tpu.memory_space<vmem>>, %arg8: memref<128x16xf32, #tpu.memory_space<vmem>>, %arg9: memref<128x16xf32, #tpu.memory_space<vmem>>, %arg10: memref<!tpu.dma_semaphore, #tpu.memory_space<semaphore_mem>>, %arg11: memref<!tpu.dma_semaphore, #tpu.memory_space<semaphore_mem>>, %arg12: memref<!tpu.dma_semaphore, #tpu.memory_space<semaphore_mem>>, %arg13: memref<!tpu.dma_semaphore, #tpu.memory_space<semaphore_mem>>) attributes {dimension_semantics = [#tpu.dimension_semantics<core_parallel>, #tpu.dimension_semantics<subcore_parallel>], iteration_bounds = array<i64: 2, 16>, scalar_prefetch = 0 : i64, scratch_operands = 9 : i64, tpu.core_type = #tpu.core_type<sc_vector_subcore>, window_params = [{transform_indices = #map}, {transform_indices = #map1}, {transform_indices = #map2}]} {
    %mul3A = arith.constant 16 : i32
    %mul3A_0 = arith.muli %arg0, %mul3A : i32
    %add3A = arith.addi %mul3A_0, %arg1 : i32
    %scan3A = arith.constant 0 : i32
    %scan3A_1 = arith.constant 0 : i32
    %scan3A_2 = arith.constant 128 : i32
    %scan3A_3 = arith.addi %scan3A_1, %scan3A_2 : i32
    %scan3A_4 = arith.constant 1 : i32
    %scan3A_5 = scf.for %scan3A_77 = %scan3A_1 to %scan3A_3 step %scan3A_4 iter_args(%scan3A_78 = %scan3A) -> (i32)  : i32 {
      %broadcast_in_dim3A = arith.constant 0.000000e+00 : f32
      %broadcast_in_dim3A_79 = vector.broadcast %broadcast_in_dim3A : f32 to vector<16xf32>
      %swap3A = arith.index_cast %scan3A_77 : i32 to index
      %swap3A_80 = arith.constant 0 : index
      %swap3A_81 = tpu.vector_load %arg8[%swap3A, %swap3A_80] {strides = array<i32>} : memref<128x16xf32, #tpu.memory_space<vmem>>, vector<1x16xf32>,
      %swap3A_82 = vector.shape_cast %swap3A_81 : vector<1x16xf32> to vector<16xf32>
      %swap3A_83 = vector.shape_cast %broadcast_in_dim3A_79 : vector<16xf32> to vector<1x16xf32>
      tpu.vector_store %arg8[%swap3A, %swap3A_80], %swap3A_83 {strides = array<i32>} : memref<128x16xf32, #tpu.memory_space<vmem>>, vector<1x16xf32>,
      %scan3A_84 = arith.constant 0 : i32
      scf.yield %scan3A_84 : i32
    }
    %scan3A_6 = arith.constant 128 : i32
    %scan3A_7 = arith.constant 0 : i32
    %scan3A_8 = arith.constant 0 : i32
    %scan3A_9 = arith.constant 5 : i32
    %scan3A_10 = arith.addi %scan3A_8, %scan3A_9 : i32
    %scan3A_11 = arith.constant 1 : i32
    %scan3A_12 = scf.for %scan3A_77 = %scan3A_8 to %scan3A_10 step %scan3A_11 iter_args(%scan3A_78 = %scan3A_7) -> (i32)  : i32 {
      %mul3A_79 = arith.constant 640 : i32
      %mul3A_80 = arith.muli %arg1, %mul3A_79 : i32
      %mul3A_81 = arith.constant 128 : i32
      %mul3A_82 = arith.muli %scan3A_77, %mul3A_81 : i32
      %add3A_83 = arith.addi %mul3A_80, %mul3A_82 : i32
      "tpu.region"() ({
        %run_scoped3A = tpu.sem_alloc : memref<!tpu.dma_semaphore, #tpu.memory_space<semaphore_mem>>
        %dma_start3A_85 = arith.constant 0 : i32
        %dma_start3A_86 = tpu.memref_slice %arg5[%add3A_83, %dma_start3A_85] : memref<10240x16xf32, #tpu.memory_space<vmem_shared>> -> memref<128x16xf32, #tpu.memory_space<vmem_shared>>
        %dma_start3A_87 = arith.constant 0 : i32
        %dma_start3A_88 = tpu.memref_slice %arg5[%add3A_83, %dma_start3A_87] : memref<10240x16xf32, #tpu.memory_space<vmem_shared>> -> memref<128x16xf32, #tpu.memory_space<vmem_shared>>
        tpu.enqueue_dma source(%arg8 : memref<128x16xf32, #tpu.memory_space<vmem>>) target(%dma_start3A_88 : memref<128x16xf32, #tpu.memory_space<vmem_shared>>) target_semaphore(%run_scoped3A : memref<!tpu.dma_semaphore, #tpu.memory_space<semaphore_mem>>)
        %dma_wait3A_89 = arith.constant 0 : i32
        %dma_wait3A_90 = tpu.memref_slice %arg5[%add3A_83, %dma_wait3A_89] : memref<10240x16xf32, #tpu.memory_space<vmem_shared>> -> memref<128x16xf32, #tpu.memory_space<vmem_shared>>
        %dma_wait3A_91 = arith.constant 0 : i32
        %dma_wait3A_92 = tpu.memref_slice %arg5[%add3A_83, %dma_wait3A_91] : memref<10240x16xf32, #tpu.memory_space<vmem_shared>> -> memref<128x16xf32, #tpu.memory_space<vmem_shared>>
        tpu.wait_dma2 semaphore(%run_scoped3A : memref<!tpu.dma_semaphore, #tpu.memory_space<semaphore_mem>>) src(%arg8 : memref<128x16xf32, #tpu.memory_space<vmem>>) dst(%dma_wait3A_92 : memref<128x16xf32, #tpu.memory_space<vmem_shared>>)
        tpu.yield
      }) : () -> ()
      %scan3A_84 = arith.constant 0 : i32
      scf.yield %scan3A_84 : i32
    }
    %scan3A_13 = arith.constant 5 : i32
    %barrier3A = arith.constant 0 : index
    tpu.barrier barrier_id(%barrier3A)
    %dma_start3A = arith.constant 0 : i32
    %dma_start3A_14 = arith.constant 0 : i32
    %dma_start3A_15 = arith.constant 0 : i32
    %dma_start3A_16 = tpu.memref_slice %arg3[%add3A, %dma_start3A, %dma_start3A_14, %dma_start3A_15] : memref<32x82x2x128xi32, #tpu.memory_space<hbm>> -> memref<1x1x2x128xi32, #tpu.memory_space<hbm>>
    %dma_start3A_17 = tpu.memref_squeeze %dma_start3A_16 : memref<1x1x2x128xi32, #tpu.memory_space<hbm>> -> memref<2x128xi32, #tpu.memory_space<hbm>>
    %dma_start3A_18 = arith.constant 0 : i32
    %dma_start3A_19 = arith.constant 0 : i32
    %dma_start3A_20 = tpu.memref_slice %arg3[%add3A, %dma_start3A, %dma_start3A_18, %dma_start3A_19] : memref<32x82x2x128xi32, #tpu.memory_space<hbm>> -> memref<1x1x2x128xi32, #tpu.memory_space<hbm>>
    %dma_start3A_21 = tpu.memref_squeeze %dma_start3A_20 : memref<1x1x2x128xi32, #tpu.memory_space<hbm>> -> memref<2x128xi32, #tpu.memory_space<hbm>>
    tpu.enqueue_dma source(%dma_start3A_21 : memref<2x128xi32, #tpu.memory_space<hbm>>) target(%arg6 : memref<2x128xi32, #tpu.memory_space<vmem>>) target_semaphore(%arg10 : memref<!tpu.dma_semaphore, #tpu.memory_space<semaphore_mem>>)
    %dma_start3A_22 = arith.constant 1 : i32
    %dma_start3A_23 = arith.constant 0 : i32
    %dma_start3A_24 = arith.constant 0 : i32
    %dma_start3A_25 = tpu.memref_slice %arg3[%add3A, %dma_start3A_22, %dma_start3A_23, %dma_start3A_24] : memref<32x82x2x128xi32, #tpu.memory_space<hbm>> -> memref<1x1x2x128xi32, #tpu.memory_space<hbm>>
    %dma_start3A_26 = tpu.memref_squeeze %dma_start3A_25 : memref<1x1x2x128xi32, #tpu.memory_space<hbm>> -> memref<2x128xi32, #tpu.memory_space<hbm>>
    %dma_start3A_27 = arith.constant 0 : i32
    %dma_start3A_28 = arith.constant 0 : i32
    %dma_start3A_29 = tpu.memref_slice %arg3[%add3A, %dma_start3A_22, %dma_start3A_27, %dma_start3A_28] : memref<32x82x2x128xi32, #tpu.memory_space<hbm>> -> memref<1x1x2x128xi32, #tpu.memory_space<hbm>>
    %dma_start3A_30 = tpu.memref_squeeze %dma_start3A_29 : memref<1x1x2x128xi32, #tpu.memory_space<hbm>> -> memref<2x128xi32, #tpu.memory_space<hbm>>
    tpu.enqueue_dma source(%dma_start3A_30 : memref<2x128xi32, #tpu.memory_space<hbm>>) target(%arg7 : memref<2x128xi32, #tpu.memory_space<vmem>>) target_semaphore(%arg11 : memref<!tpu.dma_semaphore, #tpu.memory_space<semaphore_mem>>)
    %dma_wait3A = arith.constant 0 : i32
    %dma_wait3A_31 = arith.constant 0 : i32
    %dma_wait3A_32 = arith.constant 0 : i32
    %dma_wait3A_33 = tpu.memref_slice %arg3[%add3A, %dma_wait3A, %dma_wait3A_31, %dma_wait3A_32] : memref<32x82x2x128xi32, #tpu.memory_space<hbm>> -> memref<1x1x2x128xi32, #tpu.memory_space<hbm>>
    %dma_wait3A_34 = tpu.memref_squeeze %dma_wait3A_33 : memref<1x1x2x128xi32, #tpu.memory_space<hbm>> -> memref<2x128xi32, #tpu.memory_space<hbm>>
    %dma_wait3A_35 = arith.constant 0 : i32
    %dma_wait3A_36 = arith.constant 0 : i32
    %dma_wait3A_37 = tpu.memref_slice %arg3[%add3A, %dma_wait3A, %dma_wait3A_35, %dma_wait3A_36] : memref<32x82x2x128xi32, #tpu.memory_space<hbm>> -> memref<1x1x2x128xi32, #tpu.memory_space<hbm>>
    %dma_wait3A_38 = tpu.memref_squeeze %dma_wait3A_37 : memref<1x1x2x128xi32, #tpu.memory_space<hbm>> -> memref<2x128xi32, #tpu.memory_space<hbm>>
    tpu.wait_dma2 semaphore(%arg10 : memref<!tpu.dma_semaphore, #tpu.memory_space<semaphore_mem>>) src(%dma_wait3A_38 : memref<2x128xi32, #tpu.memory_space<hbm>>) dst(%arg6 : memref<2x128xi32, #tpu.memory_space<vmem>>)
    %dma_start3A_39 = arith.constant 0 : i32
    %dma_start3A_40 = arith.constant 0 : i32
    %dma_start3A_41 = tpu.memref_slice %arg6[%dma_start3A_39, %dma_start3A_40] : memref<2x128xi32, #tpu.memory_space<vmem>> -> memref<1x128xi32, #tpu.memory_space<vmem>>
    %dma_start3A_42 = tpu.memref_squeeze %dma_start3A_41 : memref<1x128xi32, #tpu.memory_space<vmem>> -> memref<128xi32, #tpu.memory_space<vmem>>
    %dma_start3A_43 = arith.constant 0 : i32
    %dma_start3A_44 = arith.constant 0 : i32
    %dma_start3A_45 = tpu.memref_slice %arg2[%dma_start3A_43, %dma_start3A_44] : memref<10000x16xf32, #tpu.memory_space<hbm>> -> memref<10000x16xf32, #tpu.memory_space<hbm>>
    tpu.enqueue_indirect_dma source(%dma_start3A_45 : memref<10000x16xf32, #tpu.memory_space<hbm>>) target(%arg8 : memref<128x16xf32, #tpu.memory_space<vmem>>) offsets(%dma_start3A_42 : memref<128xi32, #tpu.memory_space<vmem>>) semaphore(%arg12 : memref<!tpu.dma_semaphore, #tpu.memory_space<semaphore_mem>>)
    %scan3A_46 = arith.constant 0 : i32
    %scan3A_47 = arith.constant 0 : i32
    %scan3A_48 = arith.constant 40 : i32
    %scan3A_49 = arith.addi %scan3A_47, %scan3A_48 : i32
    %scan3A_50 = arith.constant 1 : i32
    %scan3A_51 = scf.for %scan3A_77 = %scan3A_47 to %scan3A_49 step %scan3A_50 iter_args(%scan3A_78 = %scan3A_46) -> (i32)  : i32 {
      %mul3A_79 = arith.constant 2 : i32
      %mul3A_80 = arith.muli %mul3A_79, %scan3A_77 : i32
      %add3A_81 = arith.constant 0 : i32
      %add3A_82 = arith.addi %mul3A_80, %add3A_81 : i32
      %dma_wait3A_83 = arith.constant 0 : i32
      %dma_wait3A_84 = arith.constant 0 : i32
      %dma_wait3A_85 = arith.constant 0 : i32
      %dma_wait3A_86 = tpu.memref_slice %arg3[%add3A, %dma_wait3A_83, %dma_wait3A_84, %dma_wait3A_85] : memref<32x82x2x128xi32, #tpu.memory_space<hbm>> -> memref<1x1x2x128xi32, #tpu.memory_space<hbm>>
      %dma_wait3A_87 = tpu.memref_squeeze %dma_wait3A_86 : memref<1x1x2x128xi32, #tpu.memory_space<hbm>> -> memref<2x128xi32, #tpu.memory_space<hbm>>
      %dma_wait3A_88 = arith.constant 0 : i32
      %dma_wait3A_89 = arith.constant 0 : i32
      %dma_wait3A_90 = tpu.memref_slice %arg3[%add3A, %dma_wait3A_83, %dma_wait3A_88, %dma_wait3A_89] : memref<32x82x2x128xi32, #tpu.memory_space<hbm>> -> memref<1x1x2x128xi32, #tpu.memory_space<hbm>>
      %dma_wait3A_91 = tpu.memref_squeeze %dma_wait3A_90 : memref<1x1x2x128xi32, #tpu.memory_space<hbm>> -> memref<2x128xi32, #tpu.memory_space<hbm>>
      tpu.wait_dma2 semaphore(%arg11 : memref<!tpu.dma_semaphore, #tpu.memory_space<semaphore_mem>>) src(%dma_wait3A_91 : memref<2x128xi32, #tpu.memory_space<hbm>>) dst(%arg7 : memref<2x128xi32, #tpu.memory_space<vmem>>)
      %dma_start3A_92 = arith.constant 0 : i32
      %dma_start3A_93 = arith.constant 0 : i32
      %dma_start3A_94 = tpu.memref_slice %arg7[%dma_start3A_92, %dma_start3A_93] : memref<2x128xi32, #tpu.memory_space<vmem>> -> memref<1x128xi32, #tpu.memory_space<vmem>>
      %dma_start3A_95 = tpu.memref_squeeze %dma_start3A_94 : memref<1x128xi32, #tpu.memory_space<vmem>> -> memref<128xi32, #tpu.memory_space<vmem>>
      %dma_start3A_96 = arith.constant 0 : i32
      %dma_start3A_97 = arith.constant 0 : i32
      %dma_start3A_98 = tpu.memref_slice %arg2[%dma_start3A_96, %dma_start3A_97] : memref<10000x16xf32, #tpu.memory_space<hbm>> -> memref<10000x16xf32, #tpu.memory_space<hbm>>
      tpu.enqueue_indirect_dma source(%dma_start3A_98 : memref<10000x16xf32, #tpu.memory_space<hbm>>) target(%arg9 : memref<128x16xf32, #tpu.memory_space<vmem>>) offsets(%dma_start3A_95 : memref<128xi32, #tpu.memory_space<vmem>>) semaphore(%arg13 : memref<!tpu.dma_semaphore, #tpu.memory_space<semaphore_mem>>)
      %dma_wait3A_99 = arith.constant 0 : i32
      %dma_wait3A_100 = arith.constant 0 : i32
      %dma_wait3A_101 = tpu.memref_slice %arg6[%dma_wait3A_99, %dma_wait3A_100] : memref<2x128xi32, #tpu.memory_space<vmem>> -> memref<1x128xi32, #tpu.memory_space<vmem>>
      %dma_wait3A_102 = tpu.memref_squeeze %dma_wait3A_101 : memref<1x128xi32, #tpu.memory_space<vmem>> -> memref<128xi32, #tpu.memory_space<vmem>>
      %dma_wait3A_103 = arith.constant 0 : i32
      %dma_wait3A_104 = arith.constant 0 : i32
      %dma_wait3A_105 = tpu.memref_slice %arg2[%dma_wait3A_103, %dma_wait3A_104] : memref<10000x16xf32, #tpu.memory_space<hbm>> -> memref<10000x16xf32, #tpu.memory_space<hbm>>
      tpu.wait_indirect_dma semaphore(%arg12 : memref<!tpu.dma_semaphore, #tpu.memory_space<semaphore_mem>>) src(%dma_wait3A_105 : memref<10000x16xf32, #tpu.memory_space<hbm>>) dst(%arg8 : memref<128x16xf32, #tpu.memory_space<vmem>>)
      %run_scoped3A = arith.constant 1 : i32
      "tpu.region"() ({
        %run_scoped3A_155 = tpu.sem_alloc : memref<!tpu.dma_semaphore, #tpu.memory_space<semaphore_mem>>
        %dma_start3A_156 = arith.constant 0 : i32
        %dma_start3A_157 = tpu.memref_slice %arg6[%run_scoped3A, %dma_start3A_156] : memref<2x128xi32, #tpu.memory_space<vmem>> -> memref<1x128xi32, #tpu.memory_space<vmem>>
        %dma_start3A_158 = tpu.memref_squeeze %dma_start3A_157 : memref<1x128xi32, #tpu.memory_space<vmem>> -> memref<128xi32, #tpu.memory_space<vmem>>
        %dma_start3A_159 = arith.constant 0 : i32
        %dma_start3A_160 = arith.constant 0 : i32
        %dma_start3A_161 = tpu.memref_slice %arg5[%dma_start3A_159, %dma_start3A_160] : memref<10240x16xf32, #tpu.memory_space<vmem_shared>> -> memref<10240x16xf32, #tpu.memory_space<vmem_shared>>
        tpu.enqueue_indirect_dma source(%arg8 : memref<128x16xf32, #tpu.memory_space<vmem>>) target(%dma_start3A_161 : memref<10240x16xf32, #tpu.memory_space<vmem_shared>>) offsets(%dma_start3A_158 : memref<128xi32, #tpu.memory_space<vmem>>) semaphore(%run_scoped3A_155 : memref<!tpu.dma_semaphore, #tpu.memory_space<semaphore_mem>>) {add = true}
        %dma_wait3A_162 = arith.constant 0 : i32
        %dma_wait3A_163 = tpu.memref_slice %arg6[%run_scoped3A, %dma_wait3A_162] : memref<2x128xi32, #tpu.memory_space<vmem>> -> memref<1x128xi32, #tpu.memory_space<vmem>>
        %dma_wait3A_164 = tpu.memref_squeeze %dma_wait3A_163 : memref<1x128xi32, #tpu.memory_space<vmem>> -> memref<128xi32, #tpu.memory_space<vmem>>
        %dma_wait3A_165 = arith.constant 0 : i32
        %dma_wait3A_166 = arith.constant 0 : i32
        %dma_wait3A_167 = tpu.memref_slice %arg5[%dma_wait3A_165, %dma_wait3A_166] : memref<10240x16xf32, #tpu.memory_space<vmem_shared>> -> memref<10240x16xf32, #tpu.memory_space<vmem_shared>>
        tpu.wait_indirect_dma semaphore(%run_scoped3A_155 : memref<!tpu.dma_semaphore, #tpu.memory_space<semaphore_mem>>) src(%arg8 : memref<128x16xf32, #tpu.memory_space<vmem>>) dst(%dma_wait3A_167 : memref<10240x16xf32, #tpu.memory_space<vmem_shared>>)
        tpu.yield
      }) : () -> ()
      %add3A_106 = arith.constant 2 : i32
      %add3A_107 = arith.addi %add3A_82, %add3A_106 : i32
      %dma_start3A_108 = arith.constant 0 : i32
      %dma_start3A_109 = arith.constant 0 : i32
      %dma_start3A_110 = tpu.memref_slice %arg3[%add3A, %add3A_107, %dma_start3A_108, %dma_start3A_109] : memref<32x82x2x128xi32, #tpu.memory_space<hbm>> -> memref<1x1x2x128xi32, #tpu.memory_space<hbm>>
      %dma_start3A_111 = tpu.memref_squeeze %dma_start3A_110 : memref<1x1x2x128xi32, #tpu.memory_space<hbm>> -> memref<2x128xi32, #tpu.memory_space<hbm>>
      %dma_start3A_112 = arith.constant 0 : i32
      %dma_start3A_113 = arith.constant 0 : i32
      %dma_start3A_114 = tpu.memref_slice %arg3[%add3A, %add3A_107, %dma_start3A_112, %dma_start3A_113] : memref<32x82x2x128xi32, #tpu.memory_space<hbm>> -> memref<1x1x2x128xi32, #tpu.memory_space<hbm>>
      %dma_start3A_115 = tpu.memref_squeeze %dma_start3A_114 : memref<1x1x2x128xi32, #tpu.memory_space<hbm>> -> memref<2x128xi32, #tpu.memory_space<hbm>>
      tpu.enqueue_dma source(%dma_start3A_115 : memref<2x128xi32, #tpu.memory_space<hbm>>) target(%arg6 : memref<2x128xi32, #tpu.memory_space<vmem>>) target_semaphore(%arg10 : memref<!tpu.dma_semaphore, #tpu.memory_space<semaphore_mem>>)
      %mul3A_116 = arith.constant 2 : i32
      %mul3A_117 = arith.muli %mul3A_116, %scan3A_77 : i32
      %add3A_118 = arith.constant 1 : i32
      %add3A_119 = arith.addi %mul3A_117, %add3A_118 : i32
      %dma_wait3A_120 = arith.constant 0 : i32
      %dma_wait3A_121 = arith.constant 0 : i32
      %dma_wait3A_122 = arith.constant 0 : i32
      %dma_wait3A_123 = tpu.memref_slice %arg3[%add3A, %dma_wait3A_120, %dma_wait3A_121, %dma_wait3A_122] : memref<32x82x2x128xi32, #tpu.memory_space<hbm>> -> memref<1x1x2x128xi32, #tpu.memory_space<hbm>>
      %dma_wait3A_124 = tpu.memref_squeeze %dma_wait3A_123 : memref<1x1x2x128xi32, #tpu.memory_space<hbm>> -> memref<2x128xi32, #tpu.memory_space<hbm>>
      %dma_wait3A_125 = arith.constant 0 : i32
      %dma_wait3A_126 = arith.constant 0 : i32
      %dma_wait3A_127 = tpu.memref_slice %arg3[%add3A, %dma_wait3A_120, %dma_wait3A_125, %dma_wait3A_126] : memref<32x82x2x128xi32, #tpu.memory_space<hbm>> -> memref<1x1x2x128xi32, #tpu.memory_space<hbm>>
      %dma_wait3A_128 = tpu.memref_squeeze %dma_wait3A_127 : memref<1x1x2x128xi32, #tpu.memory_space<hbm>> -> memref<2x128xi32, #tpu.memory_space<hbm>>
      tpu.wait_dma2 semaphore(%arg10 : memref<!tpu.dma_semaphore, #tpu.memory_space<semaphore_mem>>) src(%dma_wait3A_128 : memref<2x128xi32, #tpu.memory_space<hbm>>) dst(%arg6 : memref<2x128xi32, #tpu.memory_space<vmem>>)
      %dma_start3A_129 = arith.constant 0 : i32
      %dma_start3A_130 = arith.constant 0 : i32
      %dma_start3A_131 = tpu.memref_slice %arg6[%dma_start3A_129, %dma_start3A_130] : memref<2x128xi32, #tpu.memory_space<vmem>> -> memref<1x128xi32, #tpu.memory_space<vmem>>
      %dma_start3A_132 = tpu.memref_squeeze %dma_start3A_131 : memref<1x128xi32, #tpu.memory_space<vmem>> -> memref<128xi32, #tpu.memory_space<vmem>>
      %dma_start3A_133 = arith.constant 0 : i32
      %dma_start3A_134 = arith.constant 0 : i32
      %dma_start3A_135 = tpu.memref_slice %arg2[%dma_start3A_133, %dma_start3A_134] : memref<10000x16xf32, #tpu.memory_space<hbm>> -> memref<10000x16xf32, #tpu.memory_space<hbm>>
      tpu.enqueue_indirect_dma source(%dma_start3A_135 : memref<10000x16xf32, #tpu.memory_space<hbm>>) target(%arg8 : memref<128x16xf32, #tpu.memory_space<vmem>>) offsets(%dma_start3A_132 : memref<128xi32, #tpu.memory_space<vmem>>) semaphore(%arg12 : memref<!tpu.dma_semaphore, #tpu.memory_space<semaphore_mem>>)
      %dma_wait3A_136 = arith.constant 0 : i32
      %dma_wait3A_137 = arith.constant 0 : i32
      %dma_wait3A_138 = tpu.memref_slice %arg7[%dma_wait3A_136, %dma_wait3A_137] : memref<2x128xi32, #tpu.memory_space<vmem>> -> memref<1x128xi32, #tpu.memory_space<vmem>>
      %dma_wait3A_139 = tpu.memref_squeeze %dma_wait3A_138 : memref<1x128xi32, #tpu.memory_space<vmem>> -> memref<128xi32, #tpu.memory_space<vmem>>
      %dma_wait3A_140 = arith.constant 0 : i32
      %dma_wait3A_141 = arith.constant 0 : i32
      %dma_wait3A_142 = tpu.memref_slice %arg2[%dma_wait3A_140, %dma_wait3A_141] : memref<10000x16xf32, #tpu.memory_space<hbm>> -> memref<10000x16xf32, #tpu.memory_space<hbm>>
      tpu.wait_indirect_dma semaphore(%arg13 : memref<!tpu.dma_semaphore, #tpu.memory_space<semaphore_mem>>) src(%dma_wait3A_142 : memref<10000x16xf32, #tpu.memory_space<hbm>>) dst(%arg9 : memref<128x16xf32, #tpu.memory_space<vmem>>)
      %run_scoped3A_143 = arith.constant 1 : i32
      "tpu.region"() ({
        %run_scoped3A_155 = tpu.sem_alloc : memref<!tpu.dma_semaphore, #tpu.memory_space<semaphore_mem>>
        %dma_start3A_156 = arith.constant 0 : i32
        %dma_start3A_157 = tpu.memref_slice %arg7[%run_scoped3A_143, %dma_start3A_156] : memref<2x128xi32, #tpu.memory_space<vmem>> -> memref<1x128xi32, #tpu.memory_space<vmem>>
        %dma_start3A_158 = tpu.memref_squeeze %dma_start3A_157 : memref<1x128xi32, #tpu.memory_space<vmem>> -> memref<128xi32, #tpu.memory_space<vmem>>
        %dma_start3A_159 = arith.constant 0 : i32
        %dma_start3A_160 = arith.constant 0 : i32
        %dma_start3A_161 = tpu.memref_slice %arg5[%dma_start3A_159, %dma_start3A_160] : memref<10240x16xf32, #tpu.memory_space<vmem_shared>> -> memref<10240x16xf32, #tpu.memory_space<vmem_shared>>
        tpu.enqueue_indirect_dma source(%arg9 : memref<128x16xf32, #tpu.memory_space<vmem>>) target(%dma_start3A_161 : memref<10240x16xf32, #tpu.memory_space<vmem_shared>>) offsets(%dma_start3A_158 : memref<128xi32, #tpu.memory_space<vmem>>) semaphore(%run_scoped3A_155 : memref<!tpu.dma_semaphore, #tpu.memory_space<semaphore_mem>>) {add = true}
        %dma_wait3A_162 = arith.constant 0 : i32
        %dma_wait3A_163 = tpu.memref_slice %arg7[%run_scoped3A_143, %dma_wait3A_162] : memref<2x128xi32, #tpu.memory_space<vmem>> -> memref<1x128xi32, #tpu.memory_space<vmem>>
        %dma_wait3A_164 = tpu.memref_squeeze %dma_wait3A_163 : memref<1x128xi32, #tpu.memory_space<vmem>> -> memref<128xi32, #tpu.memory_space<vmem>>
        %dma_wait3A_165 = arith.constant 0 : i32
        %dma_wait3A_166 = arith.constant 0 : i32
        %dma_wait3A_167 = tpu.memref_slice %arg5[%dma_wait3A_165, %dma_wait3A_166] : memref<10240x16xf32, #tpu.memory_space<vmem_shared>> -> memref<10240x16xf32, #tpu.memory_space<vmem_shared>>
        tpu.wait_indirect_dma semaphore(%run_scoped3A_155 : memref<!tpu.dma_semaphore, #tpu.memory_space<semaphore_mem>>) src(%arg9 : memref<128x16xf32, #tpu.memory_space<vmem>>) dst(%dma_wait3A_167 : memref<10240x16xf32, #tpu.memory_space<vmem_shared>>)
        tpu.yield
      }) : () -> ()
      %add3A_144 = arith.constant 2 : i32
      %add3A_145 = arith.addi %add3A_119, %add3A_144 : i32
      %dma_start3A_146 = arith.constant 0 : i32
      %dma_start3A_147 = arith.constant 0 : i32
      %dma_start3A_148 = tpu.memref_slice %arg3[%add3A, %add3A_145, %dma_start3A_146, %dma_start3A_147] : memref<32x82x2x128xi32, #tpu.memory_space<hbm>> -> memref<1x1x2x128xi32, #tpu.memory_space<hbm>>
      %dma_start3A_149 = tpu.memref_squeeze %dma_start3A_148 : memref<1x1x2x128xi32, #tpu.memory_space<hbm>> -> memref<2x128xi32, #tpu.memory_space<hbm>>
      %dma_start3A_150 = arith.constant 0 : i32
      %dma_start3A_151 = arith.constant 0 : i32
      %dma_start3A_152 = tpu.memref_slice %arg3[%add3A, %add3A_145, %dma_start3A_150, %dma_start3A_151] : memref<32x82x2x128xi32, #tpu.memory_space<hbm>> -> memref<1x1x2x128xi32, #tpu.memory_space<hbm>>
      %dma_start3A_153 = tpu.memref_squeeze %dma_start3A_152 : memref<1x1x2x128xi32, #tpu.memory_space<hbm>> -> memref<2x128xi32, #tpu.memory_space<hbm>>
      tpu.enqueue_dma source(%dma_start3A_153 : memref<2x128xi32, #tpu.memory_space<hbm>>) target(%arg7 : memref<2x128xi32, #tpu.memory_space<vmem>>) target_semaphore(%arg11 : memref<!tpu.dma_semaphore, #tpu.memory_space<semaphore_mem>>)
      %scan3A_154 = arith.constant 0 : i32
      scf.yield %scan3A_154 : i32
    }
    %scan3A_52 = arith.constant 40 : i32
    %dma_wait3A_53 = arith.constant 0 : i32
    %dma_wait3A_54 = arith.constant 0 : i32
    %dma_wait3A_55 = tpu.memref_slice %arg6[%dma_wait3A_53, %dma_wait3A_54] : memref<2x128xi32, #tpu.memory_space<vmem>> -> memref<1x128xi32, #tpu.memory_space<vmem>>
    %dma_wait3A_56 = tpu.memref_squeeze %dma_wait3A_55 : memref<1x128xi32, #tpu.memory_space<vmem>> -> memref<128xi32, #tpu.memory_space<vmem>>
    %dma_wait3A_57 = arith.constant 0 : i32
    %dma_wait3A_58 = arith.constant 0 : i32
    %dma_wait3A_59 = tpu.memref_slice %arg2[%dma_wait3A_57, %dma_wait3A_58] : memref<10000x16xf32, #tpu.memory_space<hbm>> -> memref<10000x16xf32, #tpu.memory_space<hbm>>
    tpu.wait_indirect_dma semaphore(%arg12 : memref<!tpu.dma_semaphore, #tpu.memory_space<semaphore_mem>>) src(%dma_wait3A_59 : memref<10000x16xf32, #tpu.memory_space<hbm>>) dst(%arg8 : memref<128x16xf32, #tpu.memory_space<vmem>>)
    %dma_wait3A_60 = arith.constant 0 : i32
    %dma_wait3A_61 = arith.constant 0 : i32
    %dma_wait3A_62 = arith.constant 0 : i32
    %dma_wait3A_63 = tpu.memref_slice %arg3[%add3A, %dma_wait3A_60, %dma_wait3A_61, %dma_wait3A_62] : memref<32x82x2x128xi32, #tpu.memory_space<hbm>> -> memref<1x1x2x128xi32, #tpu.memory_space<hbm>>
    %dma_wait3A_64 = tpu.memref_squeeze %dma_wait3A_63 : memref<1x1x2x128xi32, #tpu.memory_space<hbm>> -> memref<2x128xi32, #tpu.memory_space<hbm>>
    %dma_wait3A_65 = arith.constant 0 : i32
    %dma_wait3A_66 = arith.constant 0 : i32
    %dma_wait3A_67 = tpu.memref_slice %arg3[%add3A, %dma_wait3A_60, %dma_wait3A_65, %dma_wait3A_66] : memref<32x82x2x128xi32, #tpu.memory_space<hbm>> -> memref<1x1x2x128xi32, #tpu.memory_space<hbm>>
    %dma_wait3A_68 = tpu.memref_squeeze %dma_wait3A_67 : memref<1x1x2x128xi32, #tpu.memory_space<hbm>> -> memref<2x128xi32, #tpu.memory_space<hbm>>
    tpu.wait_dma2 semaphore(%arg11 : memref<!tpu.dma_semaphore, #tpu.memory_space<semaphore_mem>>) src(%dma_wait3A_68 : memref<2x128xi32, #tpu.memory_space<hbm>>) dst(%arg7 : memref<2x128xi32, #tpu.memory_space<vmem>>)
    %barrier3A_69 = arith.constant 0 : index
    tpu.barrier barrier_id(%barrier3A_69)
    %scan3A_70 = arith.constant 0 : i32
    %scan3A_71 = arith.constant 0 : i32
    %scan3A_72 = arith.constant 5 : i32
    %scan3A_73 = arith.addi %scan3A_71, %scan3A_72 : i32
    %scan3A_74 = arith.constant 1 : i32
    %scan3A_75 = scf.for %scan3A_77 = %scan3A_71 to %scan3A_73 step %scan3A_74 iter_args(%scan3A_78 = %scan3A_70) -> (i32)  : i32 {
      %mul3A_79 = arith.constant 640 : i32
      %mul3A_80 = arith.muli %arg1, %mul3A_79 : i32
      %mul3A_81 = arith.constant 128 : i32
      %mul3A_82 = arith.muli %scan3A_77, %mul3A_81 : i32
      %add3A_83 = arith.addi %mul3A_80, %mul3A_82 : i32
      "tpu.region"() ({
        %run_scoped3A = tpu.sem_alloc : memref<!tpu.dma_semaphore, #tpu.memory_space<semaphore_mem>>
        %dma_start3A_85 = arith.constant 0 : i32
        %dma_start3A_86 = tpu.memref_slice %arg5[%add3A_83, %dma_start3A_85] : memref<10240x16xf32, #tpu.memory_space<vmem_shared>> -> memref<128x16xf32, #tpu.memory_space<vmem_shared>>
        %dma_start3A_87 = arith.constant 0 : i32
        %dma_start3A_88 = tpu.memref_slice %arg5[%add3A_83, %dma_start3A_87] : memref<10240x16xf32, #tpu.memory_space<vmem_shared>> -> memref<128x16xf32, #tpu.memory_space<vmem_shared>>
        tpu.enqueue_dma source(%dma_start3A_88 : memref<128x16xf32, #tpu.memory_space<vmem_shared>>) target(%arg8 : memref<128x16xf32, #tpu.memory_space<vmem>>) target_semaphore(%run_scoped3A : memref<!tpu.dma_semaphore, #tpu.memory_space<semaphore_mem>>)
        %dma_wait3A_89 = arith.constant 0 : i32
        %dma_wait3A_90 = tpu.memref_slice %arg5[%add3A_83, %dma_wait3A_89] : memref<10240x16xf32, #tpu.memory_space<vmem_shared>> -> memref<128x16xf32, #tpu.memory_space<vmem_shared>>
        %dma_wait3A_91 = arith.constant 0 : i32
        %dma_wait3A_92 = tpu.memref_slice %arg5[%add3A_83, %dma_wait3A_91] : memref<10240x16xf32, #tpu.memory_space<vmem_shared>> -> memref<128x16xf32, #tpu.memory_space<vmem_shared>>
        tpu.wait_dma2 semaphore(%run_scoped3A : memref<!tpu.dma_semaphore, #tpu.memory_space<semaphore_mem>>) src(%dma_wait3A_92 : memref<128x16xf32, #tpu.memory_space<vmem_shared>>) dst(%arg8 : memref<128x16xf32, #tpu.memory_space<vmem>>)
        tpu.yield
      }) : () -> ()
      "tpu.region"() ({
        %run_scoped3A = tpu.sem_alloc : memref<!tpu.dma_semaphore, #tpu.memory_space<semaphore_mem>>
        %dma_start3A_85 = arith.constant 0 : i32
        %dma_start3A_86 = tpu.memref_slice %arg4[%arg0, %add3A_83, %dma_start3A_85] : memref<2x10240x16xf32, #tpu.memory_space<hbm>> -> memref<1x128x16xf32, #tpu.memory_space<hbm>>
        %dma_start3A_87 = tpu.memref_squeeze %dma_start3A_86 : memref<1x128x16xf32, #tpu.memory_space<hbm>> -> memref<128x16xf32, #tpu.memory_space<hbm>>
        %dma_start3A_88 = arith.constant 0 : i32
        %dma_start3A_89 = tpu.memref_slice %arg4[%arg0, %add3A_83, %dma_start3A_88] : memref<2x10240x16xf32, #tpu.memory_space<hbm>> -> memref<1x128x16xf32, #tpu.memory_space<hbm>>
        %dma_start3A_90 = tpu.memref_squeeze %dma_start3A_89 : memref<1x128x16xf32, #tpu.memory_space<hbm>> -> memref<128x16xf32, #tpu.memory_space<hbm>>
        tpu.enqueue_dma source(%arg8 : memref<128x16xf32, #tpu.memory_space<vmem>>) target(%dma_start3A_90 : memref<128x16xf32, #tpu.memory_space<hbm>>) target_semaphore(%run_scoped3A : memref<!tpu.dma_semaphore, #tpu.memory_space<semaphore_mem>>)
        %dma_wait3A_91 = arith.constant 0 : i32
        %dma_wait3A_92 = tpu.memref_slice %arg4[%arg0, %add3A_83, %dma_wait3A_91] : memref<2x10240x16xf32, #tpu.memory_space<hbm>> -> memref<1x128x16xf32, #tpu.memory_space<hbm>>
        %dma_wait3A_93 = tpu.memref_squeeze %dma_wait3A_92 : memref<1x128x16xf32, #tpu.memory_space<hbm>> -> memref<128x16xf32, #tpu.memory_space<hbm>>
        %dma_wait3A_94 = arith.constant 0 : i32
        %dma_wait3A_95 = tpu.memref_slice %arg4[%arg0, %add3A_83, %dma_wait3A_94] : memref<2x10240x16xf32, #tpu.memory_space<hbm>> -> memref<1x128x16xf32, #tpu.memory_space<hbm>>
        %dma_wait3A_96 = tpu.memref_squeeze %dma_wait3A_95 : memref<1x128x16xf32, #tpu.memory_space<hbm>> -> memref<128x16xf32, #tpu.memory_space<hbm>>
        tpu.wait_dma2 semaphore(%run_scoped3A : memref<!tpu.dma_semaphore, #tpu.memory_space<semaphore_mem>>) src(%arg8 : memref<128x16xf32, #tpu.memory_space<vmem>>) dst(%dma_wait3A_96 : memref<128x16xf32, #tpu.memory_space<hbm>>)
        tpu.yield
      }) : () -> ()
      %scan3A_84 = arith.constant 0 : i32
      scf.yield %scan3A_84 : i32
    }
    %scan3A_76 = arith.constant 5 : i32
    return
  }
}

#map = affine_map<(d0, d1) -> (0, 0, 0, 0)>
#map1 = affine_map<(d0, d1) -> (0, 0)>
module attributes {stable_mosaic.version = 14 : i64} {
  func.func @_sc_degree(%arg0: i32, %arg1: i32, %arg2: memref<32x82x2x128xi32, #tpu.memory_space<hbm>>, %arg3: memref<2x10240xf32, #tpu.memory_space<hbm>>, %arg4: memref<10240xf32, #tpu.memory_space<vmem_shared>>, %arg5: memref<2x128xi32, #tpu.memory_space<vmem>>, %arg6: memref<2x128xi32, #tpu.memory_space<vmem>>, %arg7: memref<128xf32, #tpu.memory_space<vmem>>, %arg8: memref<640xf32, #tpu.memory_space<vmem>>, %arg9: memref<!tpu.dma_semaphore, #tpu.memory_space<semaphore_mem>>, %arg10: memref<!tpu.dma_semaphore, #tpu.memory_space<semaphore_mem>>) attributes {dimension_semantics = [#tpu.dimension_semantics<core_parallel>, #tpu.dimension_semantics<subcore_parallel>], iteration_bounds = array<i64: 2, 16>, scalar_prefetch = 0 : i64, scratch_operands = 7 : i64, tpu.core_type = #tpu.core_type<sc_vector_subcore>, window_params = [{transform_indices = #map}, {transform_indices = #map1}]} {
    %mul3A = arith.constant 16 : i32
    %mul3A_0 = arith.muli %arg0, %mul3A : i32
    %add3A = arith.addi %mul3A_0, %arg1 : i32
    %scan3A = arith.constant 0 : i32
    %scan3A_1 = arith.constant 0 : i32
    %scan3A_2 = arith.constant 40 : i32
    %scan3A_3 = arith.addi %scan3A_1, %scan3A_2 : i32
    %scan3A_4 = arith.constant 1 : i32
    %scan3A_5 = scf.for %scan3A_62 = %scan3A_1 to %scan3A_3 step %scan3A_4 iter_args(%scan3A_63 = %scan3A) -> (i32)  : i32 {
      %broadcast_in_dim3A = arith.constant 0.000000e+00 : f32
      %broadcast_in_dim3A_64 = vector.broadcast %broadcast_in_dim3A : f32 to vector<16xf32>
      %mul3A_65 = arith.constant 16 : i32
      %mul3A_66 = arith.muli %scan3A_62, %mul3A_65 : i32
      %swap3A = arith.index_cast %mul3A_66 : i32 to index
      %swap3A_67 = tpu.vector_load %arg8[%swap3A] {strides = array<i32>} : memref<640xf32, #tpu.memory_space<vmem>>, vector<16xf32>,
      %swap3A_68 = vector.shape_cast %swap3A_67 : vector<16xf32> to vector<16xf32>
      %swap3A_69 = vector.shape_cast %broadcast_in_dim3A_64 : vector<16xf32> to vector<16xf32>
      tpu.vector_store %arg8[%swap3A], %swap3A_69 {strides = array<i32>} : memref<640xf32, #tpu.memory_space<vmem>>, vector<16xf32>,
      %scan3A_70 = arith.constant 0 : i32
      scf.yield %scan3A_70 : i32
    }
    %scan3A_6 = arith.constant 40 : i32
    %scan3A_7 = arith.constant 0 : i32
    %scan3A_8 = arith.constant 0 : i32
    %scan3A_9 = arith.constant 8 : i32
    %scan3A_10 = arith.addi %scan3A_8, %scan3A_9 : i32
    %scan3A_11 = arith.constant 1 : i32
    %scan3A_12 = scf.for %scan3A_62 = %scan3A_8 to %scan3A_10 step %scan3A_11 iter_args(%scan3A_63 = %scan3A_7) -> (i32)  : i32 {
      %broadcast_in_dim3A = arith.constant 1.000000e+00 : f32
      %broadcast_in_dim3A_64 = vector.broadcast %broadcast_in_dim3A : f32 to vector<16xf32>
      %mul3A_65 = arith.constant 16 : i32
      %mul3A_66 = arith.muli %scan3A_62, %mul3A_65 : i32
      %swap3A = arith.index_cast %mul3A_66 : i32 to index
      %swap3A_67 = tpu.vector_load %arg7[%swap3A] {strides = array<i32>} : memref<128xf32, #tpu.memory_space<vmem>>, vector<16xf32>,
      %swap3A_68 = vector.shape_cast %swap3A_67 : vector<16xf32> to vector<16xf32>
      %swap3A_69 = vector.shape_cast %broadcast_in_dim3A_64 : vector<16xf32> to vector<16xf32>
      tpu.vector_store %arg7[%swap3A], %swap3A_69 {strides = array<i32>} : memref<128xf32, #tpu.memory_space<vmem>>, vector<16xf32>,
      %scan3A_70 = arith.constant 0 : i32
      scf.yield %scan3A_70 : i32
    }
    %scan3A_13 = arith.constant 8 : i32
    %mul3A_14 = arith.constant 640 : i32
    %mul3A_15 = arith.muli %arg1, %mul3A_14 : i32
    "tpu.region"() ({
      %run_scoped3A = tpu.sem_alloc : memref<!tpu.dma_semaphore, #tpu.memory_space<semaphore_mem>>
      %dma_start3A_62 = tpu.memref_slice %arg4[%mul3A_15] : memref<10240xf32, #tpu.memory_space<vmem_shared>> -> memref<640xf32, #tpu.memory_space<vmem_shared>>
      %dma_start3A_63 = tpu.memref_slice %arg4[%mul3A_15] : memref<10240xf32, #tpu.memory_space<vmem_shared>> -> memref<640xf32, #tpu.memory_space<vmem_shared>>
      tpu.enqueue_dma source(%arg8 : memref<640xf32, #tpu.memory_space<vmem>>) target(%dma_start3A_63 : memref<640xf32, #tpu.memory_space<vmem_shared>>) target_semaphore(%run_scoped3A : memref<!tpu.dma_semaphore, #tpu.memory_space<semaphore_mem>>)
      %dma_wait3A_64 = tpu.memref_slice %arg4[%mul3A_15] : memref<10240xf32, #tpu.memory_space<vmem_shared>> -> memref<640xf32, #tpu.memory_space<vmem_shared>>
      %dma_wait3A_65 = tpu.memref_slice %arg4[%mul3A_15] : memref<10240xf32, #tpu.memory_space<vmem_shared>> -> memref<640xf32, #tpu.memory_space<vmem_shared>>
      tpu.wait_dma2 semaphore(%run_scoped3A : memref<!tpu.dma_semaphore, #tpu.memory_space<semaphore_mem>>) src(%arg8 : memref<640xf32, #tpu.memory_space<vmem>>) dst(%dma_wait3A_65 : memref<640xf32, #tpu.memory_space<vmem_shared>>)
      tpu.yield
    }) : () -> ()
    %barrier3A = arith.constant 0 : index
    tpu.barrier barrier_id(%barrier3A)
    %dma_start3A = arith.constant 0 : i32
    %dma_start3A_16 = arith.constant 0 : i32
    %dma_start3A_17 = arith.constant 0 : i32
    %dma_start3A_18 = tpu.memref_slice %arg2[%add3A, %dma_start3A, %dma_start3A_16, %dma_start3A_17] : memref<32x82x2x128xi32, #tpu.memory_space<hbm>> -> memref<1x1x2x128xi32, #tpu.memory_space<hbm>>
    %dma_start3A_19 = tpu.memref_squeeze %dma_start3A_18 : memref<1x1x2x128xi32, #tpu.memory_space<hbm>> -> memref<2x128xi32, #tpu.memory_space<hbm>>
    %dma_start3A_20 = arith.constant 0 : i32
    %dma_start3A_21 = arith.constant 0 : i32
    %dma_start3A_22 = tpu.memref_slice %arg2[%add3A, %dma_start3A, %dma_start3A_20, %dma_start3A_21] : memref<32x82x2x128xi32, #tpu.memory_space<hbm>> -> memref<1x1x2x128xi32, #tpu.memory_space<hbm>>
    %dma_start3A_23 = tpu.memref_squeeze %dma_start3A_22 : memref<1x1x2x128xi32, #tpu.memory_space<hbm>> -> memref<2x128xi32, #tpu.memory_space<hbm>>
    tpu.enqueue_dma source(%dma_start3A_23 : memref<2x128xi32, #tpu.memory_space<hbm>>) target(%arg5 : memref<2x128xi32, #tpu.memory_space<vmem>>) target_semaphore(%arg9 : memref<!tpu.dma_semaphore, #tpu.memory_space<semaphore_mem>>)
    %dma_start3A_24 = arith.constant 1 : i32
    %dma_start3A_25 = arith.constant 0 : i32
    %dma_start3A_26 = arith.constant 0 : i32
    %dma_start3A_27 = tpu.memref_slice %arg2[%add3A, %dma_start3A_24, %dma_start3A_25, %dma_start3A_26] : memref<32x82x2x128xi32, #tpu.memory_space<hbm>> -> memref<1x1x2x128xi32, #tpu.memory_space<hbm>>
    %dma_start3A_28 = tpu.memref_squeeze %dma_start3A_27 : memref<1x1x2x128xi32, #tpu.memory_space<hbm>> -> memref<2x128xi32, #tpu.memory_space<hbm>>
    %dma_start3A_29 = arith.constant 0 : i32
    %dma_start3A_30 = arith.constant 0 : i32
    %dma_start3A_31 = tpu.memref_slice %arg2[%add3A, %dma_start3A_24, %dma_start3A_29, %dma_start3A_30] : memref<32x82x2x128xi32, #tpu.memory_space<hbm>> -> memref<1x1x2x128xi32, #tpu.memory_space<hbm>>
    %dma_start3A_32 = tpu.memref_squeeze %dma_start3A_31 : memref<1x1x2x128xi32, #tpu.memory_space<hbm>> -> memref<2x128xi32, #tpu.memory_space<hbm>>
    tpu.enqueue_dma source(%dma_start3A_32 : memref<2x128xi32, #tpu.memory_space<hbm>>) target(%arg6 : memref<2x128xi32, #tpu.memory_space<vmem>>) target_semaphore(%arg10 : memref<!tpu.dma_semaphore, #tpu.memory_space<semaphore_mem>>)
    %scan3A_33 = arith.constant 0 : i32
    %scan3A_34 = arith.constant 0 : i32
    %scan3A_35 = arith.constant 40 : i32
    %scan3A_36 = arith.addi %scan3A_34, %scan3A_35 : i32
    %scan3A_37 = arith.constant 1 : i32
    %scan3A_38 = scf.for %scan3A_62 = %scan3A_34 to %scan3A_36 step %scan3A_37 iter_args(%scan3A_63 = %scan3A_33) -> (i32)  : i32 {
      %mul3A_64 = arith.constant 2 : i32
      %mul3A_65 = arith.muli %mul3A_64, %scan3A_62 : i32
      %add3A_66 = arith.constant 0 : i32
      %add3A_67 = arith.addi %mul3A_65, %add3A_66 : i32
      %dma_wait3A_68 = arith.constant 0 : i32
      %dma_wait3A_69 = arith.constant 0 : i32
      %dma_wait3A_70 = arith.constant 0 : i32
      %dma_wait3A_71 = tpu.memref_slice %arg2[%add3A, %dma_wait3A_68, %dma_wait3A_69, %dma_wait3A_70] : memref<32x82x2x128xi32, #tpu.memory_space<hbm>> -> memref<1x1x2x128xi32, #tpu.memory_space<hbm>>
      %dma_wait3A_72 = tpu.memref_squeeze %dma_wait3A_71 : memref<1x1x2x128xi32, #tpu.memory_space<hbm>> -> memref<2x128xi32, #tpu.memory_space<hbm>>
      %dma_wait3A_73 = arith.constant 0 : i32
      %dma_wait3A_74 = arith.constant 0 : i32
      %dma_wait3A_75 = tpu.memref_slice %arg2[%add3A, %dma_wait3A_68, %dma_wait3A_73, %dma_wait3A_74] : memref<32x82x2x128xi32, #tpu.memory_space<hbm>> -> memref<1x1x2x128xi32, #tpu.memory_space<hbm>>
      %dma_wait3A_76 = tpu.memref_squeeze %dma_wait3A_75 : memref<1x1x2x128xi32, #tpu.memory_space<hbm>> -> memref<2x128xi32, #tpu.memory_space<hbm>>
      tpu.wait_dma2 semaphore(%arg9 : memref<!tpu.dma_semaphore, #tpu.memory_space<semaphore_mem>>) src(%dma_wait3A_76 : memref<2x128xi32, #tpu.memory_space<hbm>>) dst(%arg5 : memref<2x128xi32, #tpu.memory_space<vmem>>)
      %run_scoped3A = arith.constant 1 : i32
      "tpu.region"() ({
        %run_scoped3A_112 = tpu.sem_alloc : memref<!tpu.dma_semaphore, #tpu.memory_space<semaphore_mem>>
        %dma_start3A_113 = arith.constant 0 : i32
        %dma_start3A_114 = tpu.memref_slice %arg5[%run_scoped3A, %dma_start3A_113] : memref<2x128xi32, #tpu.memory_space<vmem>> -> memref<1x128xi32, #tpu.memory_space<vmem>>
        %dma_start3A_115 = tpu.memref_squeeze %dma_start3A_114 : memref<1x128xi32, #tpu.memory_space<vmem>> -> memref<128xi32, #tpu.memory_space<vmem>>
        %dma_start3A_116 = arith.constant 0 : i32
        %dma_start3A_117 = tpu.memref_slice %arg4[%dma_start3A_116] : memref<10240xf32, #tpu.memory_space<vmem_shared>> -> memref<10240xf32, #tpu.memory_space<vmem_shared>>
        tpu.enqueue_indirect_dma source(%arg7 : memref<128xf32, #tpu.memory_space<vmem>>) target(%dma_start3A_117 : memref<10240xf32, #tpu.memory_space<vmem_shared>>) offsets(%dma_start3A_115 : memref<128xi32, #tpu.memory_space<vmem>>) semaphore(%run_scoped3A_112 : memref<!tpu.dma_semaphore, #tpu.memory_space<semaphore_mem>>) {add = true}
        %dma_wait3A_118 = arith.constant 0 : i32
        %dma_wait3A_119 = tpu.memref_slice %arg5[%run_scoped3A, %dma_wait3A_118] : memref<2x128xi32, #tpu.memory_space<vmem>> -> memref<1x128xi32, #tpu.memory_space<vmem>>
        %dma_wait3A_120 = tpu.memref_squeeze %dma_wait3A_119 : memref<1x128xi32, #tpu.memory_space<vmem>> -> memref<128xi32, #tpu.memory_space<vmem>>
        %dma_wait3A_121 = arith.constant 0 : i32
        %dma_wait3A_122 = tpu.memref_slice %arg4[%dma_wait3A_121] : memref<10240xf32, #tpu.memory_space<vmem_shared>> -> memref<10240xf32, #tpu.memory_space<vmem_shared>>
        tpu.wait_indirect_dma semaphore(%run_scoped3A_112 : memref<!tpu.dma_semaphore, #tpu.memory_space<semaphore_mem>>) src(%arg7 : memref<128xf32, #tpu.memory_space<vmem>>) dst(%dma_wait3A_122 : memref<10240xf32, #tpu.memory_space<vmem_shared>>)
        tpu.yield
      }) : () -> ()
      %add3A_77 = arith.constant 2 : i32
      %add3A_78 = arith.addi %add3A_67, %add3A_77 : i32
      %dma_start3A_79 = arith.constant 0 : i32
      %dma_start3A_80 = arith.constant 0 : i32
      %dma_start3A_81 = tpu.memref_slice %arg2[%add3A, %add3A_78, %dma_start3A_79, %dma_start3A_80] : memref<32x82x2x128xi32, #tpu.memory_space<hbm>> -> memref<1x1x2x128xi32, #tpu.memory_space<hbm>>
      %dma_start3A_82 = tpu.memref_squeeze %dma_start3A_81 : memref<1x1x2x128xi32, #tpu.memory_space<hbm>> -> memref<2x128xi32, #tpu.memory_space<hbm>>
      %dma_start3A_83 = arith.constant 0 : i32
      %dma_start3A_84 = arith.constant 0 : i32
      %dma_start3A_85 = tpu.memref_slice %arg2[%add3A, %add3A_78, %dma_start3A_83, %dma_start3A_84] : memref<32x82x2x128xi32, #tpu.memory_space<hbm>> -> memref<1x1x2x128xi32, #tpu.memory_space<hbm>>
      %dma_start3A_86 = tpu.memref_squeeze %dma_start3A_85 : memref<1x1x2x128xi32, #tpu.memory_space<hbm>> -> memref<2x128xi32, #tpu.memory_space<hbm>>
      tpu.enqueue_dma source(%dma_start3A_86 : memref<2x128xi32, #tpu.memory_space<hbm>>) target(%arg5 : memref<2x128xi32, #tpu.memory_space<vmem>>) target_semaphore(%arg9 : memref<!tpu.dma_semaphore, #tpu.memory_space<semaphore_mem>>)
      %mul3A_87 = arith.constant 2 : i32
      %mul3A_88 = arith.muli %mul3A_87, %scan3A_62 : i32
      %add3A_89 = arith.constant 1 : i32
      %add3A_90 = arith.addi %mul3A_88, %add3A_89 : i32
      %dma_wait3A_91 = arith.constant 0 : i32
      %dma_wait3A_92 = arith.constant 0 : i32
      %dma_wait3A_93 = arith.constant 0 : i32
      %dma_wait3A_94 = tpu.memref_slice %arg2[%add3A, %dma_wait3A_91, %dma_wait3A_92, %dma_wait3A_93] : memref<32x82x2x128xi32, #tpu.memory_space<hbm>> -> memref<1x1x2x128xi32, #tpu.memory_space<hbm>>
      %dma_wait3A_95 = tpu.memref_squeeze %dma_wait3A_94 : memref<1x1x2x128xi32, #tpu.memory_space<hbm>> -> memref<2x128xi32, #tpu.memory_space<hbm>>
      %dma_wait3A_96 = arith.constant 0 : i32
      %dma_wait3A_97 = arith.constant 0 : i32
      %dma_wait3A_98 = tpu.memref_slice %arg2[%add3A, %dma_wait3A_91, %dma_wait3A_96, %dma_wait3A_97] : memref<32x82x2x128xi32, #tpu.memory_space<hbm>> -> memref<1x1x2x128xi32, #tpu.memory_space<hbm>>
      %dma_wait3A_99 = tpu.memref_squeeze %dma_wait3A_98 : memref<1x1x2x128xi32, #tpu.memory_space<hbm>> -> memref<2x128xi32, #tpu.memory_space<hbm>>
      tpu.wait_dma2 semaphore(%arg10 : memref<!tpu.dma_semaphore, #tpu.memory_space<semaphore_mem>>) src(%dma_wait3A_99 : memref<2x128xi32, #tpu.memory_space<hbm>>) dst(%arg6 : memref<2x128xi32, #tpu.memory_space<vmem>>)
      %run_scoped3A_100 = arith.constant 1 : i32
      "tpu.region"() ({
        %run_scoped3A_112 = tpu.sem_alloc : memref<!tpu.dma_semaphore, #tpu.memory_space<semaphore_mem>>
        %dma_start3A_113 = arith.constant 0 : i32
        %dma_start3A_114 = tpu.memref_slice %arg6[%run_scoped3A_100, %dma_start3A_113] : memref<2x128xi32, #tpu.memory_space<vmem>> -> memref<1x128xi32, #tpu.memory_space<vmem>>
        %dma_start3A_115 = tpu.memref_squeeze %dma_start3A_114 : memref<1x128xi32, #tpu.memory_space<vmem>> -> memref<128xi32, #tpu.memory_space<vmem>>
        %dma_start3A_116 = arith.constant 0 : i32
        %dma_start3A_117 = tpu.memref_slice %arg4[%dma_start3A_116] : memref<10240xf32, #tpu.memory_space<vmem_shared>> -> memref<10240xf32, #tpu.memory_space<vmem_shared>>
        tpu.enqueue_indirect_dma source(%arg7 : memref<128xf32, #tpu.memory_space<vmem>>) target(%dma_start3A_117 : memref<10240xf32, #tpu.memory_space<vmem_shared>>) offsets(%dma_start3A_115 : memref<128xi32, #tpu.memory_space<vmem>>) semaphore(%run_scoped3A_112 : memref<!tpu.dma_semaphore, #tpu.memory_space<semaphore_mem>>) {add = true}
        %dma_wait3A_118 = arith.constant 0 : i32
        %dma_wait3A_119 = tpu.memref_slice %arg6[%run_scoped3A_100, %dma_wait3A_118] : memref<2x128xi32, #tpu.memory_space<vmem>> -> memref<1x128xi32, #tpu.memory_space<vmem>>
        %dma_wait3A_120 = tpu.memref_squeeze %dma_wait3A_119 : memref<1x128xi32, #tpu.memory_space<vmem>> -> memref<128xi32, #tpu.memory_space<vmem>>
        %dma_wait3A_121 = arith.constant 0 : i32
        %dma_wait3A_122 = tpu.memref_slice %arg4[%dma_wait3A_121] : memref<10240xf32, #tpu.memory_space<vmem_shared>> -> memref<10240xf32, #tpu.memory_space<vmem_shared>>
        tpu.wait_indirect_dma semaphore(%run_scoped3A_112 : memref<!tpu.dma_semaphore, #tpu.memory_space<semaphore_mem>>) src(%arg7 : memref<128xf32, #tpu.memory_space<vmem>>) dst(%dma_wait3A_122 : memref<10240xf32, #tpu.memory_space<vmem_shared>>)
        tpu.yield
      }) : () -> ()
      %add3A_101 = arith.constant 2 : i32
      %add3A_102 = arith.addi %add3A_90, %add3A_101 : i32
      %dma_start3A_103 = arith.constant 0 : i32
      %dma_start3A_104 = arith.constant 0 : i32
      %dma_start3A_105 = tpu.memref_slice %arg2[%add3A, %add3A_102, %dma_start3A_103, %dma_start3A_104] : memref<32x82x2x128xi32, #tpu.memory_space<hbm>> -> memref<1x1x2x128xi32, #tpu.memory_space<hbm>>
      %dma_start3A_106 = tpu.memref_squeeze %dma_start3A_105 : memref<1x1x2x128xi32, #tpu.memory_space<hbm>> -> memref<2x128xi32, #tpu.memory_space<hbm>>
      %dma_start3A_107 = arith.constant 0 : i32
      %dma_start3A_108 = arith.constant 0 : i32
      %dma_start3A_109 = tpu.memref_slice %arg2[%add3A, %add3A_102, %dma_start3A_107, %dma_start3A_108] : memref<32x82x2x128xi32, #tpu.memory_space<hbm>> -> memref<1x1x2x128xi32, #tpu.memory_space<hbm>>
      %dma_start3A_110 = tpu.memref_squeeze %dma_start3A_109 : memref<1x1x2x128xi32, #tpu.memory_space<hbm>> -> memref<2x128xi32, #tpu.memory_space<hbm>>
      tpu.enqueue_dma source(%dma_start3A_110 : memref<2x128xi32, #tpu.memory_space<hbm>>) target(%arg6 : memref<2x128xi32, #tpu.memory_space<vmem>>) target_semaphore(%arg10 : memref<!tpu.dma_semaphore, #tpu.memory_space<semaphore_mem>>)
      %scan3A_111 = arith.constant 0 : i32
      scf.yield %scan3A_111 : i32
    }
    %scan3A_39 = arith.constant 40 : i32
    %dma_wait3A = arith.constant 0 : i32
    %dma_wait3A_40 = arith.constant 0 : i32
    %dma_wait3A_41 = arith.constant 0 : i32
    %dma_wait3A_42 = tpu.memref_slice %arg2[%add3A, %dma_wait3A, %dma_wait3A_40, %dma_wait3A_41] : memref<32x82x2x128xi32, #tpu.memory_space<hbm>> -> memref<1x1x2x128xi32, #tpu.memory_space<hbm>>
    %dma_wait3A_43 = tpu.memref_squeeze %dma_wait3A_42 : memref<1x1x2x128xi32, #tpu.memory_space<hbm>> -> memref<2x128xi32, #tpu.memory_space<hbm>>
    %dma_wait3A_44 = arith.constant 0 : i32
    %dma_wait3A_45 = arith.constant 0 : i32
    %dma_wait3A_46 = tpu.memref_slice %arg2[%add3A, %dma_wait3A, %dma_wait3A_44, %dma_wait3A_45] : memref<32x82x2x128xi32, #tpu.memory_space<hbm>> -> memref<1x1x2x128xi32, #tpu.memory_space<hbm>>
    %dma_wait3A_47 = tpu.memref_squeeze %dma_wait3A_46 : memref<1x1x2x128xi32, #tpu.memory_space<hbm>> -> memref<2x128xi32, #tpu.memory_space<hbm>>
    tpu.wait_dma2 semaphore(%arg9 : memref<!tpu.dma_semaphore, #tpu.memory_space<semaphore_mem>>) src(%dma_wait3A_47 : memref<2x128xi32, #tpu.memory_space<hbm>>) dst(%arg5 : memref<2x128xi32, #tpu.memory_space<vmem>>)
    %dma_wait3A_48 = arith.constant 0 : i32
    %dma_wait3A_49 = arith.constant 0 : i32
    %dma_wait3A_50 = arith.constant 0 : i32
    %dma_wait3A_51 = tpu.memref_slice %arg2[%add3A, %dma_wait3A_48, %dma_wait3A_49, %dma_wait3A_50] : memref<32x82x2x128xi32, #tpu.memory_space<hbm>> -> memref<1x1x2x128xi32, #tpu.memory_space<hbm>>
    %dma_wait3A_52 = tpu.memref_squeeze %dma_wait3A_51 : memref<1x1x2x128xi32, #tpu.memory_space<hbm>> -> memref<2x128xi32, #tpu.memory_space<hbm>>
    %dma_wait3A_53 = arith.constant 0 : i32
    %dma_wait3A_54 = arith.constant 0 : i32
    %dma_wait3A_55 = tpu.memref_slice %arg2[%add3A, %dma_wait3A_48, %dma_wait3A_53, %dma_wait3A_54] : memref<32x82x2x128xi32, #tpu.memory_space<hbm>> -> memref<1x1x2x128xi32, #tpu.memory_space<hbm>>
    %dma_wait3A_56 = tpu.memref_squeeze %dma_wait3A_55 : memref<1x1x2x128xi32, #tpu.memory_space<hbm>> -> memref<2x128xi32, #tpu.memory_space<hbm>>
    tpu.wait_dma2 semaphore(%arg10 : memref<!tpu.dma_semaphore, #tpu.memory_space<semaphore_mem>>) src(%dma_wait3A_56 : memref<2x128xi32, #tpu.memory_space<hbm>>) dst(%arg6 : memref<2x128xi32, #tpu.memory_space<vmem>>)
    %barrier3A_57 = arith.constant 0 : index
    tpu.barrier barrier_id(%barrier3A_57)
    %mul3A_58 = arith.constant 640 : i32
    %mul3A_59 = arith.muli %arg1, %mul3A_58 : i32
    "tpu.region"() ({
      %run_scoped3A = tpu.sem_alloc : memref<!tpu.dma_semaphore, #tpu.memory_space<semaphore_mem>>
      %dma_start3A_62 = tpu.memref_slice %arg4[%mul3A_59] : memref<10240xf32, #tpu.memory_space<vmem_shared>> -> memref<640xf32, #tpu.memory_space<vmem_shared>>
      %dma_start3A_63 = tpu.memref_slice %arg4[%mul3A_59] : memref<10240xf32, #tpu.memory_space<vmem_shared>> -> memref<640xf32, #tpu.memory_space<vmem_shared>>
      tpu.enqueue_dma source(%dma_start3A_63 : memref<640xf32, #tpu.memory_space<vmem_shared>>) target(%arg8 : memref<640xf32, #tpu.memory_space<vmem>>) target_semaphore(%run_scoped3A : memref<!tpu.dma_semaphore, #tpu.memory_space<semaphore_mem>>)
      %dma_wait3A_64 = tpu.memref_slice %arg4[%mul3A_59] : memref<10240xf32, #tpu.memory_space<vmem_shared>> -> memref<640xf32, #tpu.memory_space<vmem_shared>>
      %dma_wait3A_65 = tpu.memref_slice %arg4[%mul3A_59] : memref<10240xf32, #tpu.memory_space<vmem_shared>> -> memref<640xf32, #tpu.memory_space<vmem_shared>>
      tpu.wait_dma2 semaphore(%run_scoped3A : memref<!tpu.dma_semaphore, #tpu.memory_space<semaphore_mem>>) src(%dma_wait3A_65 : memref<640xf32, #tpu.memory_space<vmem_shared>>) dst(%arg8 : memref<640xf32, #tpu.memory_space<vmem>>)
      tpu.yield
    }) : () -> ()
    %mul3A_60 = arith.constant 640 : i32
    %mul3A_61 = arith.muli %arg1, %mul3A_60 : i32
    "tpu.region"() ({
      %run_scoped3A = tpu.sem_alloc : memref<!tpu.dma_semaphore, #tpu.memory_space<semaphore_mem>>
      %dma_start3A_62 = tpu.memref_slice %arg3[%arg0, %mul3A_61] : memref<2x10240xf32, #tpu.memory_space<hbm>> -> memref<1x640xf32, #tpu.memory_space<hbm>>
      %dma_start3A_63 = tpu.memref_squeeze %dma_start3A_62 : memref<1x640xf32, #tpu.memory_space<hbm>> -> memref<640xf32, #tpu.memory_space<hbm>>
      %dma_start3A_64 = tpu.memref_slice %arg3[%arg0, %mul3A_61] : memref<2x10240xf32, #tpu.memory_space<hbm>> -> memref<1x640xf32, #tpu.memory_space<hbm>>
      %dma_start3A_65 = tpu.memref_squeeze %dma_start3A_64 : memref<1x640xf32, #tpu.memory_space<hbm>> -> memref<640xf32, #tpu.memory_space<hbm>>
      tpu.enqueue_dma source(%arg8 : memref<640xf32, #tpu.memory_space<vmem>>) target(%dma_start3A_65 : memref<640xf32, #tpu.memory_space<hbm>>) target_semaphore(%run_scoped3A : memref<!tpu.dma_semaphore, #tpu.memory_space<semaphore_mem>>)
      %dma_wait3A_66 = tpu.memref_slice %arg3[%arg0, %mul3A_61] : memref<2x10240xf32, #tpu.memory_space<hbm>> -> memref<1x640xf32, #tpu.memory_space<hbm>>
      %dma_wait3A_67 = tpu.memref_squeeze %dma_wait3A_66 : memref<1x640xf32, #tpu.memory_space<hbm>> -> memref<640xf32, #tpu.memory_space<hbm>>
      %dma_wait3A_68 = tpu.memref_slice %arg3[%arg0, %mul3A_61] : memref<2x10240xf32, #tpu.memory_space<hbm>> -> memref<1x640xf32, #tpu.memory_space<hbm>>
      %dma_wait3A_69 = tpu.memref_squeeze %dma_wait3A_68 : memref<1x640xf32, #tpu.memory_space<hbm>> -> memref<640xf32, #tpu.memory_space<hbm>>
      tpu.wait_dma2 semaphore(%run_scoped3A : memref<!tpu.dma_semaphore, #tpu.memory_space<semaphore_mem>>) src(%arg8 : memref<640xf32, #tpu.memory_space<vmem>>) dst(%dma_wait3A_69 : memref<640xf32, #tpu.memory_space<hbm>>)
      tpu.yield
    }) : () -> ()
    return
  }
}

#map = affine_map<(d0, d1) -> (0, 0)>
#map1 = affine_map<(d0, d1) -> (0, 0, 0, 0)>
#map2 = affine_map<(d0, d1) -> (0, 0, 0)>
module attributes {stable_mosaic.version = 14 : i64} {
  func.func @_sc_edge_pass(%arg0: i32, %arg1: i32, %arg2: memref<10000x16xf32, #tpu.memory_space<hbm>>, %arg3: memref<32x82x2x128xi32, #tpu.memory_space<hbm>>, %arg4: memref<2x10240x16xf32, #tpu.memory_space<hbm>>, %arg5: memref<10240x16xf32, #tpu.memory_space<vmem_shared>>, %arg6: memref<2x128xi32, #tpu.memory_space<vmem>>, %arg7: memref<2x128xi32, #tpu.memory_space<vmem>>, %arg8: memref<128x16xf32, #tpu.memory_space<vmem>>, %arg9: memref<128x16xf32, #tpu.memory_space<vmem>>, %arg10: memref<!tpu.dma_semaphore, #tpu.memory_space<semaphore_mem>>, %arg11: memref<!tpu.dma_semaphore, #tpu.memory_space<semaphore_mem>>, %arg12: memref<!tpu.dma_semaphore, #tpu.memory_space<semaphore_mem>>, %arg13: memref<!tpu.dma_semaphore, #tpu.memory_space<semaphore_mem>>) attributes {dimension_semantics = [#tpu.dimension_semantics<core_parallel>, #tpu.dimension_semantics<subcore_parallel>], iteration_bounds = array<i64: 2, 16>, scalar_prefetch = 0 : i64, scratch_operands = 9 : i64, tpu.core_type = #tpu.core_type<sc_vector_subcore>, window_params = [{transform_indices = #map}, {transform_indices = #map1}, {transform_indices = #map2}]} {
    %mul3A = arith.constant 16 : i32
    %mul3A_0 = arith.muli %arg0, %mul3A : i32
    %add3A = arith.addi %mul3A_0, %arg1 : i32
    %scan3A = arith.constant 0 : i32
    %scan3A_1 = arith.constant 0 : i32
    %scan3A_2 = arith.constant 128 : i32
    %scan3A_3 = arith.addi %scan3A_1, %scan3A_2 : i32
    %scan3A_4 = arith.constant 1 : i32
    %scan3A_5 = scf.for %scan3A_77 = %scan3A_1 to %scan3A_3 step %scan3A_4 iter_args(%scan3A_78 = %scan3A) -> (i32)  : i32 {
      %broadcast_in_dim3A = arith.constant 0.000000e+00 : f32
      %broadcast_in_dim3A_79 = vector.broadcast %broadcast_in_dim3A : f32 to vector<16xf32>
      %swap3A = arith.index_cast %scan3A_77 : i32 to index
      %swap3A_80 = arith.constant 0 : index
      %swap3A_81 = tpu.vector_load %arg8[%swap3A, %swap3A_80] {strides = array<i32>} : memref<128x16xf32, #tpu.memory_space<vmem>>, vector<1x16xf32>,
      %swap3A_82 = vector.shape_cast %swap3A_81 : vector<1x16xf32> to vector<16xf32>
      %swap3A_83 = vector.shape_cast %broadcast_in_dim3A_79 : vector<16xf32> to vector<1x16xf32>
      tpu.vector_store %arg8[%swap3A, %swap3A_80], %swap3A_83 {strides = array<i32>} : memref<128x16xf32, #tpu.memory_space<vmem>>, vector<1x16xf32>,
      %scan3A_84 = arith.constant 0 : i32
      scf.yield %scan3A_84 : i32
    }
    %scan3A_6 = arith.constant 128 : i32
    %scan3A_7 = arith.constant 0 : i32
    %scan3A_8 = arith.constant 0 : i32
    %scan3A_9 = arith.constant 5 : i32
    %scan3A_10 = arith.addi %scan3A_8, %scan3A_9 : i32
    %scan3A_11 = arith.constant 1 : i32
    %scan3A_12 = scf.for %scan3A_77 = %scan3A_8 to %scan3A_10 step %scan3A_11 iter_args(%scan3A_78 = %scan3A_7) -> (i32)  : i32 {
      %mul3A_79 = arith.constant 640 : i32
      %mul3A_80 = arith.muli %arg1, %mul3A_79 : i32
      %mul3A_81 = arith.constant 128 : i32
      %mul3A_82 = arith.muli %scan3A_77, %mul3A_81 : i32
      %add3A_83 = arith.addi %mul3A_80, %mul3A_82 : i32
      "tpu.region"() ({
        %run_scoped3A = tpu.sem_alloc : memref<!tpu.dma_semaphore, #tpu.memory_space<semaphore_mem>>
        %dma_start3A_85 = arith.constant 0 : i32
        %dma_start3A_86 = tpu.memref_slice %arg5[%add3A_83, %dma_start3A_85] : memref<10240x16xf32, #tpu.memory_space<vmem_shared>> -> memref<128x16xf32, #tpu.memory_space<vmem_shared>>
        %dma_start3A_87 = arith.constant 0 : i32
        %dma_start3A_88 = tpu.memref_slice %arg5[%add3A_83, %dma_start3A_87] : memref<10240x16xf32, #tpu.memory_space<vmem_shared>> -> memref<128x16xf32, #tpu.memory_space<vmem_shared>>
        tpu.enqueue_dma source(%arg8 : memref<128x16xf32, #tpu.memory_space<vmem>>) target(%dma_start3A_88 : memref<128x16xf32, #tpu.memory_space<vmem_shared>>) target_semaphore(%run_scoped3A : memref<!tpu.dma_semaphore, #tpu.memory_space<semaphore_mem>>)
        %dma_wait3A_89 = arith.constant 0 : i32
        %dma_wait3A_90 = tpu.memref_slice %arg5[%add3A_83, %dma_wait3A_89] : memref<10240x16xf32, #tpu.memory_space<vmem_shared>> -> memref<128x16xf32, #tpu.memory_space<vmem_shared>>
        %dma_wait3A_91 = arith.constant 0 : i32
        %dma_wait3A_92 = tpu.memref_slice %arg5[%add3A_83, %dma_wait3A_91] : memref<10240x16xf32, #tpu.memory_space<vmem_shared>> -> memref<128x16xf32, #tpu.memory_space<vmem_shared>>
        tpu.wait_dma2 semaphore(%run_scoped3A : memref<!tpu.dma_semaphore, #tpu.memory_space<semaphore_mem>>) src(%arg8 : memref<128x16xf32, #tpu.memory_space<vmem>>) dst(%dma_wait3A_92 : memref<128x16xf32, #tpu.memory_space<vmem_shared>>)
        tpu.yield
      }) : () -> ()
      %scan3A_84 = arith.constant 0 : i32
      scf.yield %scan3A_84 : i32
    }
    %scan3A_13 = arith.constant 5 : i32
    %barrier3A = arith.constant 0 : index
    tpu.barrier barrier_id(%barrier3A)
    %dma_start3A = arith.constant 0 : i32
    %dma_start3A_14 = arith.constant 0 : i32
    %dma_start3A_15 = arith.constant 0 : i32
    %dma_start3A_16 = tpu.memref_slice %arg3[%add3A, %dma_start3A, %dma_start3A_14, %dma_start3A_15] : memref<32x82x2x128xi32, #tpu.memory_space<hbm>> -> memref<1x1x2x128xi32, #tpu.memory_space<hbm>>
    %dma_start3A_17 = tpu.memref_squeeze %dma_start3A_16 : memref<1x1x2x128xi32, #tpu.memory_space<hbm>> -> memref<2x128xi32, #tpu.memory_space<hbm>>
    %dma_start3A_18 = arith.constant 0 : i32
    %dma_start3A_19 = arith.constant 0 : i32
    %dma_start3A_20 = tpu.memref_slice %arg3[%add3A, %dma_start3A, %dma_start3A_18, %dma_start3A_19] : memref<32x82x2x128xi32, #tpu.memory_space<hbm>> -> memref<1x1x2x128xi32, #tpu.memory_space<hbm>>
    %dma_start3A_21 = tpu.memref_squeeze %dma_start3A_20 : memref<1x1x2x128xi32, #tpu.memory_space<hbm>> -> memref<2x128xi32, #tpu.memory_space<hbm>>
    tpu.enqueue_dma source(%dma_start3A_21 : memref<2x128xi32, #tpu.memory_space<hbm>>) target(%arg6 : memref<2x128xi32, #tpu.memory_space<vmem>>) target_semaphore(%arg10 : memref<!tpu.dma_semaphore, #tpu.memory_space<semaphore_mem>>)
    %dma_start3A_22 = arith.constant 1 : i32
    %dma_start3A_23 = arith.constant 0 : i32
    %dma_start3A_24 = arith.constant 0 : i32
    %dma_start3A_25 = tpu.memref_slice %arg3[%add3A, %dma_start3A_22, %dma_start3A_23, %dma_start3A_24] : memref<32x82x2x128xi32, #tpu.memory_space<hbm>> -> memref<1x1x2x128xi32, #tpu.memory_space<hbm>>
    %dma_start3A_26 = tpu.memref_squeeze %dma_start3A_25 : memref<1x1x2x128xi32, #tpu.memory_space<hbm>> -> memref<2x128xi32, #tpu.memory_space<hbm>>
    %dma_start3A_27 = arith.constant 0 : i32
    %dma_start3A_28 = arith.constant 0 : i32
    %dma_start3A_29 = tpu.memref_slice %arg3[%add3A, %dma_start3A_22, %dma_start3A_27, %dma_start3A_28] : memref<32x82x2x128xi32, #tpu.memory_space<hbm>> -> memref<1x1x2x128xi32, #tpu.memory_space<hbm>>
    %dma_start3A_30 = tpu.memref_squeeze %dma_start3A_29 : memref<1x1x2x128xi32, #tpu.memory_space<hbm>> -> memref<2x128xi32, #tpu.memory_space<hbm>>
    tpu.enqueue_dma source(%dma_start3A_30 : memref<2x128xi32, #tpu.memory_space<hbm>>) target(%arg7 : memref<2x128xi32, #tpu.memory_space<vmem>>) target_semaphore(%arg11 : memref<!tpu.dma_semaphore, #tpu.memory_space<semaphore_mem>>)
    %dma_wait3A = arith.constant 0 : i32
    %dma_wait3A_31 = arith.constant 0 : i32
    %dma_wait3A_32 = arith.constant 0 : i32
    %dma_wait3A_33 = tpu.memref_slice %arg3[%add3A, %dma_wait3A, %dma_wait3A_31, %dma_wait3A_32] : memref<32x82x2x128xi32, #tpu.memory_space<hbm>> -> memref<1x1x2x128xi32, #tpu.memory_space<hbm>>
    %dma_wait3A_34 = tpu.memref_squeeze %dma_wait3A_33 : memref<1x1x2x128xi32, #tpu.memory_space<hbm>> -> memref<2x128xi32, #tpu.memory_space<hbm>>
    %dma_wait3A_35 = arith.constant 0 : i32
    %dma_wait3A_36 = arith.constant 0 : i32
    %dma_wait3A_37 = tpu.memref_slice %arg3[%add3A, %dma_wait3A, %dma_wait3A_35, %dma_wait3A_36] : memref<32x82x2x128xi32, #tpu.memory_space<hbm>> -> memref<1x1x2x128xi32, #tpu.memory_space<hbm>>
    %dma_wait3A_38 = tpu.memref_squeeze %dma_wait3A_37 : memref<1x1x2x128xi32, #tpu.memory_space<hbm>> -> memref<2x128xi32, #tpu.memory_space<hbm>>
    tpu.wait_dma2 semaphore(%arg10 : memref<!tpu.dma_semaphore, #tpu.memory_space<semaphore_mem>>) src(%dma_wait3A_38 : memref<2x128xi32, #tpu.memory_space<hbm>>) dst(%arg6 : memref<2x128xi32, #tpu.memory_space<vmem>>)
    %dma_start3A_39 = arith.constant 0 : i32
    %dma_start3A_40 = arith.constant 0 : i32
    %dma_start3A_41 = tpu.memref_slice %arg6[%dma_start3A_39, %dma_start3A_40] : memref<2x128xi32, #tpu.memory_space<vmem>> -> memref<1x128xi32, #tpu.memory_space<vmem>>
    %dma_start3A_42 = tpu.memref_squeeze %dma_start3A_41 : memref<1x128xi32, #tpu.memory_space<vmem>> -> memref<128xi32, #tpu.memory_space<vmem>>
    %dma_start3A_43 = arith.constant 0 : i32
    %dma_start3A_44 = arith.constant 0 : i32
    %dma_start3A_45 = tpu.memref_slice %arg2[%dma_start3A_43, %dma_start3A_44] : memref<10000x16xf32, #tpu.memory_space<hbm>> -> memref<10000x16xf32, #tpu.memory_space<hbm>>
    tpu.enqueue_indirect_dma source(%dma_start3A_45 : memref<10000x16xf32, #tpu.memory_space<hbm>>) target(%arg8 : memref<128x16xf32, #tpu.memory_space<vmem>>) offsets(%dma_start3A_42 : memref<128xi32, #tpu.memory_space<vmem>>) semaphore(%arg12 : memref<!tpu.dma_semaphore, #tpu.memory_space<semaphore_mem>>)
    %scan3A_46 = arith.constant 0 : i32
    %scan3A_47 = arith.constant 0 : i32
    %scan3A_48 = arith.constant 40 : i32
    %scan3A_49 = arith.addi %scan3A_47, %scan3A_48 : i32
    %scan3A_50 = arith.constant 1 : i32
    %scan3A_51 = scf.for %scan3A_77 = %scan3A_47 to %scan3A_49 step %scan3A_50 iter_args(%scan3A_78 = %scan3A_46) -> (i32)  : i32 {
      %mul3A_79 = arith.constant 2 : i32
      %mul3A_80 = arith.muli %mul3A_79, %scan3A_77 : i32
      %add3A_81 = arith.constant 0 : i32
      %add3A_82 = arith.addi %mul3A_80, %add3A_81 : i32
      %dma_wait3A_83 = arith.constant 0 : i32
      %dma_wait3A_84 = arith.constant 0 : i32
      %dma_wait3A_85 = arith.constant 0 : i32
      %dma_wait3A_86 = tpu.memref_slice %arg3[%add3A, %dma_wait3A_83, %dma_wait3A_84, %dma_wait3A_85] : memref<32x82x2x128xi32, #tpu.memory_space<hbm>> -> memref<1x1x2x128xi32, #tpu.memory_space<hbm>>
      %dma_wait3A_87 = tpu.memref_squeeze %dma_wait3A_86 : memref<1x1x2x128xi32, #tpu.memory_space<hbm>> -> memref<2x128xi32, #tpu.memory_space<hbm>>
      %dma_wait3A_88 = arith.constant 0 : i32
      %dma_wait3A_89 = arith.constant 0 : i32
      %dma_wait3A_90 = tpu.memref_slice %arg3[%add3A, %dma_wait3A_83, %dma_wait3A_88, %dma_wait3A_89] : memref<32x82x2x128xi32, #tpu.memory_space<hbm>> -> memref<1x1x2x128xi32, #tpu.memory_space<hbm>>
      %dma_wait3A_91 = tpu.memref_squeeze %dma_wait3A_90 : memref<1x1x2x128xi32, #tpu.memory_space<hbm>> -> memref<2x128xi32, #tpu.memory_space<hbm>>
      tpu.wait_dma2 semaphore(%arg11 : memref<!tpu.dma_semaphore, #tpu.memory_space<semaphore_mem>>) src(%dma_wait3A_91 : memref<2x128xi32, #tpu.memory_space<hbm>>) dst(%arg7 : memref<2x128xi32, #tpu.memory_space<vmem>>)
      %dma_start3A_92 = arith.constant 0 : i32
      %dma_start3A_93 = arith.constant 0 : i32
      %dma_start3A_94 = tpu.memref_slice %arg7[%dma_start3A_92, %dma_start3A_93] : memref<2x128xi32, #tpu.memory_space<vmem>> -> memref<1x128xi32, #tpu.memory_space<vmem>>
      %dma_start3A_95 = tpu.memref_squeeze %dma_start3A_94 : memref<1x128xi32, #tpu.memory_space<vmem>> -> memref<128xi32, #tpu.memory_space<vmem>>
      %dma_start3A_96 = arith.constant 0 : i32
      %dma_start3A_97 = arith.constant 0 : i32
      %dma_start3A_98 = tpu.memref_slice %arg2[%dma_start3A_96, %dma_start3A_97] : memref<10000x16xf32, #tpu.memory_space<hbm>> -> memref<10000x16xf32, #tpu.memory_space<hbm>>
      tpu.enqueue_indirect_dma source(%dma_start3A_98 : memref<10000x16xf32, #tpu.memory_space<hbm>>) target(%arg9 : memref<128x16xf32, #tpu.memory_space<vmem>>) offsets(%dma_start3A_95 : memref<128xi32, #tpu.memory_space<vmem>>) semaphore(%arg13 : memref<!tpu.dma_semaphore, #tpu.memory_space<semaphore_mem>>)
      %dma_wait3A_99 = arith.constant 0 : i32
      %dma_wait3A_100 = arith.constant 0 : i32
      %dma_wait3A_101 = tpu.memref_slice %arg6[%dma_wait3A_99, %dma_wait3A_100] : memref<2x128xi32, #tpu.memory_space<vmem>> -> memref<1x128xi32, #tpu.memory_space<vmem>>
      %dma_wait3A_102 = tpu.memref_squeeze %dma_wait3A_101 : memref<1x128xi32, #tpu.memory_space<vmem>> -> memref<128xi32, #tpu.memory_space<vmem>>
      %dma_wait3A_103 = arith.constant 0 : i32
      %dma_wait3A_104 = arith.constant 0 : i32
      %dma_wait3A_105 = tpu.memref_slice %arg2[%dma_wait3A_103, %dma_wait3A_104] : memref<10000x16xf32, #tpu.memory_space<hbm>> -> memref<10000x16xf32, #tpu.memory_space<hbm>>
      tpu.wait_indirect_dma semaphore(%arg12 : memref<!tpu.dma_semaphore, #tpu.memory_space<semaphore_mem>>) src(%dma_wait3A_105 : memref<10000x16xf32, #tpu.memory_space<hbm>>) dst(%arg8 : memref<128x16xf32, #tpu.memory_space<vmem>>)
      %run_scoped3A = arith.constant 1 : i32
      "tpu.region"() ({
        %run_scoped3A_155 = tpu.sem_alloc : memref<!tpu.dma_semaphore, #tpu.memory_space<semaphore_mem>>
        %dma_start3A_156 = arith.constant 0 : i32
        %dma_start3A_157 = tpu.memref_slice %arg6[%run_scoped3A, %dma_start3A_156] : memref<2x128xi32, #tpu.memory_space<vmem>> -> memref<1x128xi32, #tpu.memory_space<vmem>>
        %dma_start3A_158 = tpu.memref_squeeze %dma_start3A_157 : memref<1x128xi32, #tpu.memory_space<vmem>> -> memref<128xi32, #tpu.memory_space<vmem>>
        %dma_start3A_159 = arith.constant 0 : i32
        %dma_start3A_160 = arith.constant 0 : i32
        %dma_start3A_161 = tpu.memref_slice %arg5[%dma_start3A_159, %dma_start3A_160] : memref<10240x16xf32, #tpu.memory_space<vmem_shared>> -> memref<10240x16xf32, #tpu.memory_space<vmem_shared>>
        tpu.enqueue_indirect_dma source(%arg8 : memref<128x16xf32, #tpu.memory_space<vmem>>) target(%dma_start3A_161 : memref<10240x16xf32, #tpu.memory_space<vmem_shared>>) offsets(%dma_start3A_158 : memref<128xi32, #tpu.memory_space<vmem>>) semaphore(%run_scoped3A_155 : memref<!tpu.dma_semaphore, #tpu.memory_space<semaphore_mem>>) {add = true}
        %dma_wait3A_162 = arith.constant 0 : i32
        %dma_wait3A_163 = tpu.memref_slice %arg6[%run_scoped3A, %dma_wait3A_162] : memref<2x128xi32, #tpu.memory_space<vmem>> -> memref<1x128xi32, #tpu.memory_space<vmem>>
        %dma_wait3A_164 = tpu.memref_squeeze %dma_wait3A_163 : memref<1x128xi32, #tpu.memory_space<vmem>> -> memref<128xi32, #tpu.memory_space<vmem>>
        %dma_wait3A_165 = arith.constant 0 : i32
        %dma_wait3A_166 = arith.constant 0 : i32
        %dma_wait3A_167 = tpu.memref_slice %arg5[%dma_wait3A_165, %dma_wait3A_166] : memref<10240x16xf32, #tpu.memory_space<vmem_shared>> -> memref<10240x16xf32, #tpu.memory_space<vmem_shared>>
        tpu.wait_indirect_dma semaphore(%run_scoped3A_155 : memref<!tpu.dma_semaphore, #tpu.memory_space<semaphore_mem>>) src(%arg8 : memref<128x16xf32, #tpu.memory_space<vmem>>) dst(%dma_wait3A_167 : memref<10240x16xf32, #tpu.memory_space<vmem_shared>>)
        tpu.yield
      }) : () -> ()
      %add3A_106 = arith.constant 2 : i32
      %add3A_107 = arith.addi %add3A_82, %add3A_106 : i32
      %dma_start3A_108 = arith.constant 0 : i32
      %dma_start3A_109 = arith.constant 0 : i32
      %dma_start3A_110 = tpu.memref_slice %arg3[%add3A, %add3A_107, %dma_start3A_108, %dma_start3A_109] : memref<32x82x2x128xi32, #tpu.memory_space<hbm>> -> memref<1x1x2x128xi32, #tpu.memory_space<hbm>>
      %dma_start3A_111 = tpu.memref_squeeze %dma_start3A_110 : memref<1x1x2x128xi32, #tpu.memory_space<hbm>> -> memref<2x128xi32, #tpu.memory_space<hbm>>
      %dma_start3A_112 = arith.constant 0 : i32
      %dma_start3A_113 = arith.constant 0 : i32
      %dma_start3A_114 = tpu.memref_slice %arg3[%add3A, %add3A_107, %dma_start3A_112, %dma_start3A_113] : memref<32x82x2x128xi32, #tpu.memory_space<hbm>> -> memref<1x1x2x128xi32, #tpu.memory_space<hbm>>
      %dma_start3A_115 = tpu.memref_squeeze %dma_start3A_114 : memref<1x1x2x128xi32, #tpu.memory_space<hbm>> -> memref<2x128xi32, #tpu.memory_space<hbm>>
      tpu.enqueue_dma source(%dma_start3A_115 : memref<2x128xi32, #tpu.memory_space<hbm>>) target(%arg6 : memref<2x128xi32, #tpu.memory_space<vmem>>) target_semaphore(%arg10 : memref<!tpu.dma_semaphore, #tpu.memory_space<semaphore_mem>>)
      %mul3A_116 = arith.constant 2 : i32
      %mul3A_117 = arith.muli %mul3A_116, %scan3A_77 : i32
      %add3A_118 = arith.constant 1 : i32
      %add3A_119 = arith.addi %mul3A_117, %add3A_118 : i32
      %dma_wait3A_120 = arith.constant 0 : i32
      %dma_wait3A_121 = arith.constant 0 : i32
      %dma_wait3A_122 = arith.constant 0 : i32
      %dma_wait3A_123 = tpu.memref_slice %arg3[%add3A, %dma_wait3A_120, %dma_wait3A_121, %dma_wait3A_122] : memref<32x82x2x128xi32, #tpu.memory_space<hbm>> -> memref<1x1x2x128xi32, #tpu.memory_space<hbm>>
      %dma_wait3A_124 = tpu.memref_squeeze %dma_wait3A_123 : memref<1x1x2x128xi32, #tpu.memory_space<hbm>> -> memref<2x128xi32, #tpu.memory_space<hbm>>
      %dma_wait3A_125 = arith.constant 0 : i32
      %dma_wait3A_126 = arith.constant 0 : i32
      %dma_wait3A_127 = tpu.memref_slice %arg3[%add3A, %dma_wait3A_120, %dma_wait3A_125, %dma_wait3A_126] : memref<32x82x2x128xi32, #tpu.memory_space<hbm>> -> memref<1x1x2x128xi32, #tpu.memory_space<hbm>>
      %dma_wait3A_128 = tpu.memref_squeeze %dma_wait3A_127 : memref<1x1x2x128xi32, #tpu.memory_space<hbm>> -> memref<2x128xi32, #tpu.memory_space<hbm>>
      tpu.wait_dma2 semaphore(%arg10 : memref<!tpu.dma_semaphore, #tpu.memory_space<semaphore_mem>>) src(%dma_wait3A_128 : memref<2x128xi32, #tpu.memory_space<hbm>>) dst(%arg6 : memref<2x128xi32, #tpu.memory_space<vmem>>)
      %dma_start3A_129 = arith.constant 0 : i32
      %dma_start3A_130 = arith.constant 0 : i32
      %dma_start3A_131 = tpu.memref_slice %arg6[%dma_start3A_129, %dma_start3A_130] : memref<2x128xi32, #tpu.memory_space<vmem>> -> memref<1x128xi32, #tpu.memory_space<vmem>>
      %dma_start3A_132 = tpu.memref_squeeze %dma_start3A_131 : memref<1x128xi32, #tpu.memory_space<vmem>> -> memref<128xi32, #tpu.memory_space<vmem>>
      %dma_start3A_133 = arith.constant 0 : i32
      %dma_start3A_134 = arith.constant 0 : i32
      %dma_start3A_135 = tpu.memref_slice %arg2[%dma_start3A_133, %dma_start3A_134] : memref<10000x16xf32, #tpu.memory_space<hbm>> -> memref<10000x16xf32, #tpu.memory_space<hbm>>
      tpu.enqueue_indirect_dma source(%dma_start3A_135 : memref<10000x16xf32, #tpu.memory_space<hbm>>) target(%arg8 : memref<128x16xf32, #tpu.memory_space<vmem>>) offsets(%dma_start3A_132 : memref<128xi32, #tpu.memory_space<vmem>>) semaphore(%arg12 : memref<!tpu.dma_semaphore, #tpu.memory_space<semaphore_mem>>)
      %dma_wait3A_136 = arith.constant 0 : i32
      %dma_wait3A_137 = arith.constant 0 : i32
      %dma_wait3A_138 = tpu.memref_slice %arg7[%dma_wait3A_136, %dma_wait3A_137] : memref<2x128xi32, #tpu.memory_space<vmem>> -> memref<1x128xi32, #tpu.memory_space<vmem>>
      %dma_wait3A_139 = tpu.memref_squeeze %dma_wait3A_138 : memref<1x128xi32, #tpu.memory_space<vmem>> -> memref<128xi32, #tpu.memory_space<vmem>>
      %dma_wait3A_140 = arith.constant 0 : i32
      %dma_wait3A_141 = arith.constant 0 : i32
      %dma_wait3A_142 = tpu.memref_slice %arg2[%dma_wait3A_140, %dma_wait3A_141] : memref<10000x16xf32, #tpu.memory_space<hbm>> -> memref<10000x16xf32, #tpu.memory_space<hbm>>
      tpu.wait_indirect_dma semaphore(%arg13 : memref<!tpu.dma_semaphore, #tpu.memory_space<semaphore_mem>>) src(%dma_wait3A_142 : memref<10000x16xf32, #tpu.memory_space<hbm>>) dst(%arg9 : memref<128x16xf32, #tpu.memory_space<vmem>>)
      %run_scoped3A_143 = arith.constant 1 : i32
      "tpu.region"() ({
        %run_scoped3A_155 = tpu.sem_alloc : memref<!tpu.dma_semaphore, #tpu.memory_space<semaphore_mem>>
        %dma_start3A_156 = arith.constant 0 : i32
        %dma_start3A_157 = tpu.memref_slice %arg7[%run_scoped3A_143, %dma_start3A_156] : memref<2x128xi32, #tpu.memory_space<vmem>> -> memref<1x128xi32, #tpu.memory_space<vmem>>
        %dma_start3A_158 = tpu.memref_squeeze %dma_start3A_157 : memref<1x128xi32, #tpu.memory_space<vmem>> -> memref<128xi32, #tpu.memory_space<vmem>>
        %dma_start3A_159 = arith.constant 0 : i32
        %dma_start3A_160 = arith.constant 0 : i32
        %dma_start3A_161 = tpu.memref_slice %arg5[%dma_start3A_159, %dma_start3A_160] : memref<10240x16xf32, #tpu.memory_space<vmem_shared>> -> memref<10240x16xf32, #tpu.memory_space<vmem_shared>>
        tpu.enqueue_indirect_dma source(%arg9 : memref<128x16xf32, #tpu.memory_space<vmem>>) target(%dma_start3A_161 : memref<10240x16xf32, #tpu.memory_space<vmem_shared>>) offsets(%dma_start3A_158 : memref<128xi32, #tpu.memory_space<vmem>>) semaphore(%run_scoped3A_155 : memref<!tpu.dma_semaphore, #tpu.memory_space<semaphore_mem>>) {add = true}
        %dma_wait3A_162 = arith.constant 0 : i32
        %dma_wait3A_163 = tpu.memref_slice %arg7[%run_scoped3A_143, %dma_wait3A_162] : memref<2x128xi32, #tpu.memory_space<vmem>> -> memref<1x128xi32, #tpu.memory_space<vmem>>
        %dma_wait3A_164 = tpu.memref_squeeze %dma_wait3A_163 : memref<1x128xi32, #tpu.memory_space<vmem>> -> memref<128xi32, #tpu.memory_space<vmem>>
        %dma_wait3A_165 = arith.constant 0 : i32
        %dma_wait3A_166 = arith.constant 0 : i32
        %dma_wait3A_167 = tpu.memref_slice %arg5[%dma_wait3A_165, %dma_wait3A_166] : memref<10240x16xf32, #tpu.memory_space<vmem_shared>> -> memref<10240x16xf32, #tpu.memory_space<vmem_shared>>
        tpu.wait_indirect_dma semaphore(%run_scoped3A_155 : memref<!tpu.dma_semaphore, #tpu.memory_space<semaphore_mem>>) src(%arg9 : memref<128x16xf32, #tpu.memory_space<vmem>>) dst(%dma_wait3A_167 : memref<10240x16xf32, #tpu.memory_space<vmem_shared>>)
        tpu.yield
      }) : () -> ()
      %add3A_144 = arith.constant 2 : i32
      %add3A_145 = arith.addi %add3A_119, %add3A_144 : i32
      %dma_start3A_146 = arith.constant 0 : i32
      %dma_start3A_147 = arith.constant 0 : i32
      %dma_start3A_148 = tpu.memref_slice %arg3[%add3A, %add3A_145, %dma_start3A_146, %dma_start3A_147] : memref<32x82x2x128xi32, #tpu.memory_space<hbm>> -> memref<1x1x2x128xi32, #tpu.memory_space<hbm>>
      %dma_start3A_149 = tpu.memref_squeeze %dma_start3A_148 : memref<1x1x2x128xi32, #tpu.memory_space<hbm>> -> memref<2x128xi32, #tpu.memory_space<hbm>>
      %dma_start3A_150 = arith.constant 0 : i32
      %dma_start3A_151 = arith.constant 0 : i32
      %dma_start3A_152 = tpu.memref_slice %arg3[%add3A, %add3A_145, %dma_start3A_150, %dma_start3A_151] : memref<32x82x2x128xi32, #tpu.memory_space<hbm>> -> memref<1x1x2x128xi32, #tpu.memory_space<hbm>>
      %dma_start3A_153 = tpu.memref_squeeze %dma_start3A_152 : memref<1x1x2x128xi32, #tpu.memory_space<hbm>> -> memref<2x128xi32, #tpu.memory_space<hbm>>
      tpu.enqueue_dma source(%dma_start3A_153 : memref<2x128xi32, #tpu.memory_space<hbm>>) target(%arg7 : memref<2x128xi32, #tpu.memory_space<vmem>>) target_semaphore(%arg11 : memref<!tpu.dma_semaphore, #tpu.memory_space<semaphore_mem>>)
      %scan3A_154 = arith.constant 0 : i32
      scf.yield %scan3A_154 : i32
    }
    %scan3A_52 = arith.constant 40 : i32
    %dma_wait3A_53 = arith.constant 0 : i32
    %dma_wait3A_54 = arith.constant 0 : i32
    %dma_wait3A_55 = tpu.memref_slice %arg6[%dma_wait3A_53, %dma_wait3A_54] : memref<2x128xi32, #tpu.memory_space<vmem>> -> memref<1x128xi32, #tpu.memory_space<vmem>>
    %dma_wait3A_56 = tpu.memref_squeeze %dma_wait3A_55 : memref<1x128xi32, #tpu.memory_space<vmem>> -> memref<128xi32, #tpu.memory_space<vmem>>
    %dma_wait3A_57 = arith.constant 0 : i32
    %dma_wait3A_58 = arith.constant 0 : i32
    %dma_wait3A_59 = tpu.memref_slice %arg2[%dma_wait3A_57, %dma_wait3A_58] : memref<10000x16xf32, #tpu.memory_space<hbm>> -> memref<10000x16xf32, #tpu.memory_space<hbm>>
    tpu.wait_indirect_dma semaphore(%arg12 : memref<!tpu.dma_semaphore, #tpu.memory_space<semaphore_mem>>) src(%dma_wait3A_59 : memref<10000x16xf32, #tpu.memory_space<hbm>>) dst(%arg8 : memref<128x16xf32, #tpu.memory_space<vmem>>)
    %dma_wait3A_60 = arith.constant 0 : i32
    %dma_wait3A_61 = arith.constant 0 : i32
    %dma_wait3A_62 = arith.constant 0 : i32
    %dma_wait3A_63 = tpu.memref_slice %arg3[%add3A, %dma_wait3A_60, %dma_wait3A_61, %dma_wait3A_62] : memref<32x82x2x128xi32, #tpu.memory_space<hbm>> -> memref<1x1x2x128xi32, #tpu.memory_space<hbm>>
    %dma_wait3A_64 = tpu.memref_squeeze %dma_wait3A_63 : memref<1x1x2x128xi32, #tpu.memory_space<hbm>> -> memref<2x128xi32, #tpu.memory_space<hbm>>
    %dma_wait3A_65 = arith.constant 0 : i32
    %dma_wait3A_66 = arith.constant 0 : i32
    %dma_wait3A_67 = tpu.memref_slice %arg3[%add3A, %dma_wait3A_60, %dma_wait3A_65, %dma_wait3A_66] : memref<32x82x2x128xi32, #tpu.memory_space<hbm>> -> memref<1x1x2x128xi32, #tpu.memory_space<hbm>>
    %dma_wait3A_68 = tpu.memref_squeeze %dma_wait3A_67 : memref<1x1x2x128xi32, #tpu.memory_space<hbm>> -> memref<2x128xi32, #tpu.memory_space<hbm>>
    tpu.wait_dma2 semaphore(%arg11 : memref<!tpu.dma_semaphore, #tpu.memory_space<semaphore_mem>>) src(%dma_wait3A_68 : memref<2x128xi32, #tpu.memory_space<hbm>>) dst(%arg7 : memref<2x128xi32, #tpu.memory_space<vmem>>)
    %barrier3A_69 = arith.constant 0 : index
    tpu.barrier barrier_id(%barrier3A_69)
    %scan3A_70 = arith.constant 0 : i32
    %scan3A_71 = arith.constant 0 : i32
    %scan3A_72 = arith.constant 5 : i32
    %scan3A_73 = arith.addi %scan3A_71, %scan3A_72 : i32
    %scan3A_74 = arith.constant 1 : i32
    %scan3A_75 = scf.for %scan3A_77 = %scan3A_71 to %scan3A_73 step %scan3A_74 iter_args(%scan3A_78 = %scan3A_70) -> (i32)  : i32 {
      %mul3A_79 = arith.constant 640 : i32
      %mul3A_80 = arith.muli %arg1, %mul3A_79 : i32
      %mul3A_81 = arith.constant 128 : i32
      %mul3A_82 = arith.muli %scan3A_77, %mul3A_81 : i32
      %add3A_83 = arith.addi %mul3A_80, %mul3A_82 : i32
      "tpu.region"() ({
        %run_scoped3A = tpu.sem_alloc : memref<!tpu.dma_semaphore, #tpu.memory_space<semaphore_mem>>
        %dma_start3A_85 = arith.constant 0 : i32
        %dma_start3A_86 = tpu.memref_slice %arg5[%add3A_83, %dma_start3A_85] : memref<10240x16xf32, #tpu.memory_space<vmem_shared>> -> memref<128x16xf32, #tpu.memory_space<vmem_shared>>
        %dma_start3A_87 = arith.constant 0 : i32
        %dma_start3A_88 = tpu.memref_slice %arg5[%add3A_83, %dma_start3A_87] : memref<10240x16xf32, #tpu.memory_space<vmem_shared>> -> memref<128x16xf32, #tpu.memory_space<vmem_shared>>
        tpu.enqueue_dma source(%dma_start3A_88 : memref<128x16xf32, #tpu.memory_space<vmem_shared>>) target(%arg8 : memref<128x16xf32, #tpu.memory_space<vmem>>) target_semaphore(%run_scoped3A : memref<!tpu.dma_semaphore, #tpu.memory_space<semaphore_mem>>)
        %dma_wait3A_89 = arith.constant 0 : i32
        %dma_wait3A_90 = tpu.memref_slice %arg5[%add3A_83, %dma_wait3A_89] : memref<10240x16xf32, #tpu.memory_space<vmem_shared>> -> memref<128x16xf32, #tpu.memory_space<vmem_shared>>
        %dma_wait3A_91 = arith.constant 0 : i32
        %dma_wait3A_92 = tpu.memref_slice %arg5[%add3A_83, %dma_wait3A_91] : memref<10240x16xf32, #tpu.memory_space<vmem_shared>> -> memref<128x16xf32, #tpu.memory_space<vmem_shared>>
        tpu.wait_dma2 semaphore(%run_scoped3A : memref<!tpu.dma_semaphore, #tpu.memory_space<semaphore_mem>>) src(%dma_wait3A_92 : memref<128x16xf32, #tpu.memory_space<vmem_shared>>) dst(%arg8 : memref<128x16xf32, #tpu.memory_space<vmem>>)
        tpu.yield
      }) : () -> ()
      "tpu.region"() ({
        %run_scoped3A = tpu.sem_alloc : memref<!tpu.dma_semaphore, #tpu.memory_space<semaphore_mem>>
        %dma_start3A_85 = arith.constant 0 : i32
        %dma_start3A_86 = tpu.memref_slice %arg4[%arg0, %add3A_83, %dma_start3A_85] : memref<2x10240x16xf32, #tpu.memory_space<hbm>> -> memref<1x128x16xf32, #tpu.memory_space<hbm>>
        %dma_start3A_87 = tpu.memref_squeeze %dma_start3A_86 : memref<1x128x16xf32, #tpu.memory_space<hbm>> -> memref<128x16xf32, #tpu.memory_space<hbm>>
        %dma_start3A_88 = arith.constant 0 : i32
        %dma_start3A_89 = tpu.memref_slice %arg4[%arg0, %add3A_83, %dma_start3A_88] : memref<2x10240x16xf32, #tpu.memory_space<hbm>> -> memref<1x128x16xf32, #tpu.memory_space<hbm>>
        %dma_start3A_90 = tpu.memref_squeeze %dma_start3A_89 : memref<1x128x16xf32, #tpu.memory_space<hbm>> -> memref<128x16xf32, #tpu.memory_space<hbm>>
        tpu.enqueue_dma source(%arg8 : memref<128x16xf32, #tpu.memory_space<vmem>>) target(%dma_start3A_90 : memref<128x16xf32, #tpu.memory_space<hbm>>) target_semaphore(%run_scoped3A : memref<!tpu.dma_semaphore, #tpu.memory_space<semaphore_mem>>)
        %dma_wait3A_91 = arith.constant 0 : i32
        %dma_wait3A_92 = tpu.memref_slice %arg4[%arg0, %add3A_83, %dma_wait3A_91] : memref<2x10240x16xf32, #tpu.memory_space<hbm>> -> memref<1x128x16xf32, #tpu.memory_space<hbm>>
        %dma_wait3A_93 = tpu.memref_squeeze %dma_wait3A_92 : memref<1x128x16xf32, #tpu.memory_space<hbm>> -> memref<128x16xf32, #tpu.memory_space<hbm>>
        %dma_wait3A_94 = arith.constant 0 : i32
        %dma_wait3A_95 = tpu.memref_slice %arg4[%arg0, %add3A_83, %dma_wait3A_94] : memref<2x10240x16xf32, #tpu.memory_space<hbm>> -> memref<1x128x16xf32, #tpu.memory_space<hbm>>
        %dma_wait3A_96 = tpu.memref_squeeze %dma_wait3A_95 : memref<1x128x16xf32, #tpu.memory_space<hbm>> -> memref<128x16xf32, #tpu.memory_space<hbm>>
        tpu.wait_dma2 semaphore(%run_scoped3A : memref<!tpu.dma_semaphore, #tpu.memory_space<semaphore_mem>>) src(%arg8 : memref<128x16xf32, #tpu.memory_space<vmem>>) dst(%dma_wait3A_96 : memref<128x16xf32, #tpu.memory_space<hbm>>)
        tpu.yield
      }) : () -> ()
      %scan3A_84 = arith.constant 0 : i32
      scf.yield %scan3A_84 : i32
    }
    %scan3A_76 = arith.constant 5 : i32
    return
  }
}

module attributes {stable_mosaic.version = 14 : i64} {
  func.func @_tc_prep_body(%arg0: i32, %arg1: memref<1000x128xf32, #tpu.memory_space<vmem>>, %arg2: memref<128x16xf32, #tpu.memory_space<vmem>>, %arg3: memref<1000x1xf32, #tpu.memory_space<vmem>>, %arg4: memref<1000x1xf32, #tpu.memory_space<vmem>>, %arg5: memref<1000x16xf32, #tpu.memory_space<vmem>>) attributes {dimension_semantics = [#tpu.dimension_semantics<arbitrary>], iteration_bounds = array<i64: 10>, scalar_prefetch = 0 : i64, scratch_operands = 0 : i64, tpu.core_type = #tpu.core_type<tc>, window_params = [{transform_indices = @transform_0, window_bounds = array<i64: 1000, 128>}, {pipeline_mode = #tpu.pipeline_mode<synchronous>, transform_indices = @transform_1, window_bounds = array<i64: 128, 16>}, {transform_indices = @transform_2, window_bounds = array<i64: 1000, 1>}, {transform_indices = @transform_3, window_bounds = array<i64: 1000, 1>}, {transform_indices = @transform_4, window_bounds = array<i64: 1000, 16>}]} {
    %get3A = arith.constant 0 : index
    %get3A_0 = arith.constant 0 : index
    %get3A_1 = vector.load %arg3[%get3A, %get3A_0] : memref<1000x1xf32, #tpu.memory_space<vmem>>, vector<1000x1xf32>
    %get3A_2 = arith.constant 0 : index
    %get3A_3 = arith.constant 0 : index
    %get3A_4 = vector.load %arg4[%get3A_2, %get3A_3] : memref<1000x1xf32, #tpu.memory_space<vmem>>, vector<1000x1xf32>
    %add3A = arith.addf %get3A_1, %get3A_4 : vector<1000x1xf32>
    %add3A_5 = arith.constant 1.000000e+00 : f32
    %add3A_6 = vector.broadcast %add3A_5 : f32 to vector<1000x1xf32>
    %add3A_7 = arith.addf %add3A, %add3A_6 : vector<1000x1xf32>
    %rsqrt3A = math.rsqrt %add3A_7 : vector<1000x1xf32>
    %get3A_8 = arith.constant 0 : index
    %get3A_9 = arith.constant 0 : index
    %get3A_10 = vector.load %arg1[%get3A_8, %get3A_9] : memref<1000x128xf32, #tpu.memory_space<vmem>>, vector<1000x128xf32>
    %get3A_11 = arith.constant 0 : index
    %get3A_12 = arith.constant 0 : index
    %get3A_13 = vector.load %arg2[%get3A_11, %get3A_12] : memref<128x16xf32, #tpu.memory_space<vmem>>, vector<128x16xf32>
    %dot_general3A = arith.constant dense<0.000000e+00> : vector<1000x16xf32>
    %dot_general3A_14 = tpu.matmul %get3A_10, %get3A_13, %dot_general3A {dimension_numbers = #tpu.dot_dimension_numbers<[1], [0], [0], [1], [0, 0, 1, 1], [], []>, transpose_lhs_hint = false} : vector<1000x128xf32>, vector<128x16xf32>, vector<1000x16xf32> -> vector<1000x16xf32>
    %mul3A = vector.broadcast %rsqrt3A : vector<1000x1xf32> to vector<1000x16xf32>
    %mul3A_15 = arith.mulf %dot_general3A_14, %mul3A : vector<1000x16xf32>
    %swap3A = arith.constant 0 : index
    %swap3A_16 = arith.constant 0 : index
    %swap3A_17 = vector.load %arg5[%swap3A, %swap3A_16] : memref<1000x16xf32, #tpu.memory_space<vmem>>, vector<1000x16xf32>
    tpu.vector_store %arg5[%swap3A, %swap3A_16], %mul3A_15 {strides = array<i32>} : memref<1000x16xf32, #tpu.memory_space<vmem>>, vector<1000x16xf32>,
    return
  }
  func.func @transform_0(%arg0: i32) -> (i32, i32) {
    %c0_i32 = arith.constant 0 : i32
    %c0_i32_0 = arith.constant 0 : i32
    return %arg0, %c0_i32 : i32, i32
  }
  func.func @transform_1(%arg0: i32) -> (i32, i32) {
    %c0_i32 = arith.constant 0 : i32
    %c0_i32_0 = arith.constant 0 : i32
    %c0_i32_1 = arith.constant 0 : i32
    return %c0_i32, %c0_i32_0 : i32, i32
  }
  func.func @transform_2(%arg0: i32) -> (i32, i32) {
    %c0_i32 = arith.constant 0 : i32
    %c0_i32_0 = arith.constant 0 : i32
    return %arg0, %c0_i32 : i32, i32
  }
  func.func @transform_3(%arg0: i32) -> (i32, i32) {
    %c0_i32 = arith.constant 0 : i32
    %c0_i32_0 = arith.constant 0 : i32
    return %arg0, %c0_i32 : i32, i32
  }
  func.func @transform_4(%arg0: i32) -> (i32, i32) {
    %c0_i32 = arith.constant 0 : i32
    %c0_i32_0 = arith.constant 0 : i32
    return %arg0, %c0_i32 : i32, i32
  }
}

module attributes {stable_mosaic.version = 14 : i64} {
  func.func @_tc_mid_body(%arg0: i32, %arg1: memref<1000x16xf32, #tpu.memory_space<vmem>>, %arg2: memref<1000x16xf32, #tpu.memory_space<vmem>>, %arg3: memref<1000x16xf32, #tpu.memory_space<vmem>>, %arg4: memref<1000x1xf32, #tpu.memory_space<vmem>>, %arg5: memref<1000x1xf32, #tpu.memory_space<vmem>>, %arg6: memref<1x16xf32, #tpu.memory_space<vmem>>, %arg7: memref<16x16xf32, #tpu.memory_space<vmem>>, %arg8: memref<1000x16xf32, #tpu.memory_space<vmem>>) attributes {dimension_semantics = [#tpu.dimension_semantics<arbitrary>], iteration_bounds = array<i64: 10>, scalar_prefetch = 0 : i64, scratch_operands = 0 : i64, tpu.core_type = #tpu.core_type<tc>, window_params = [{transform_indices = @transform_0, window_bounds = array<i64: 1000, 16>}, {transform_indices = @transform_1, window_bounds = array<i64: 1000, 16>}, {transform_indices = @transform_2, window_bounds = array<i64: 1000, 16>}, {transform_indices = @transform_3, window_bounds = array<i64: 1000, 1>}, {transform_indices = @transform_4, window_bounds = array<i64: 1000, 1>}, {pipeline_mode = #tpu.pipeline_mode<synchronous>, transform_indices = @transform_5, window_bounds = array<i64: 1, 16>}, {pipeline_mode = #tpu.pipeline_mode<synchronous>, transform_indices = @transform_6, window_bounds = array<i64: 16, 16>}, {transform_indices = @transform_7, window_bounds = array<i64: 1000, 16>}]} {
    %get3A = arith.constant 0 : index
    %get3A_0 = arith.constant 0 : index
    %get3A_1 = vector.load %arg4[%get3A, %get3A_0] : memref<1000x1xf32, #tpu.memory_space<vmem>>, vector<1000x1xf32>
    %get3A_2 = arith.constant 0 : index
    %get3A_3 = arith.constant 0 : index
    %get3A_4 = vector.load %arg5[%get3A_2, %get3A_3] : memref<1000x1xf32, #tpu.memory_space<vmem>>, vector<1000x1xf32>
    %add3A = arith.addf %get3A_1, %get3A_4 : vector<1000x1xf32>
    %add3A_5 = arith.constant 1.000000e+00 : f32
    %add3A_6 = vector.broadcast %add3A_5 : f32 to vector<1000x1xf32>
    %add3A_7 = arith.addf %add3A, %add3A_6 : vector<1000x1xf32>
    %rsqrt3A = math.rsqrt %add3A_7 : vector<1000x1xf32>
    %get3A_8 = arith.constant 0 : index
    %get3A_9 = arith.constant 0 : index
    %get3A_10 = vector.load %arg1[%get3A_8, %get3A_9] : memref<1000x16xf32, #tpu.memory_space<vmem>>, vector<1000x16xf32>
    %get3A_11 = arith.constant 0 : index
    %get3A_12 = arith.constant 0 : index
    %get3A_13 = vector.load %arg2[%get3A_11, %get3A_12] : memref<1000x16xf32, #tpu.memory_space<vmem>>, vector<1000x16xf32>
    %add3A_14 = arith.addf %get3A_10, %get3A_13 : vector<1000x16xf32>
    %get3A_15 = arith.constant 0 : index
    %get3A_16 = arith.constant 0 : index
    %get3A_17 = vector.load %arg3[%get3A_15, %get3A_16] : memref<1000x16xf32, #tpu.memory_space<vmem>>, vector<1000x16xf32>
    %add3A_18 = arith.addf %add3A_14, %get3A_17 : vector<1000x16xf32>
    %mul3A = vector.broadcast %rsqrt3A : vector<1000x1xf32> to vector<1000x16xf32>
    %mul3A_19 = arith.mulf %mul3A, %add3A_18 : vector<1000x16xf32>
    %get3A_20 = arith.constant 0 : index
    %get3A_21 = arith.constant 0 : index
    %get3A_22 = vector.load %arg6[%get3A_20, %get3A_21] : memref<1x16xf32, #tpu.memory_space<vmem>>, vector<1x16xf32>
    %add3A_23 = vector.broadcast %get3A_22 : vector<1x16xf32> to vector<1000x16xf32>
    %add3A_24 = arith.addf %mul3A_19, %add3A_23 : vector<1000x16xf32>
    %max3A = arith.constant 0.000000e+00 : f32
    %max3A_25 = vector.broadcast %max3A : f32 to vector<1000x16xf32>
    %max3A_26 = arith.maximumf %add3A_24, %max3A_25 : vector<1000x16xf32>
    %get3A_27 = arith.constant 0 : index
    %get3A_28 = arith.constant 0 : index
    %get3A_29 = vector.load %arg7[%get3A_27, %get3A_28] : memref<16x16xf32, #tpu.memory_space<vmem>>, vector<16x16xf32>
    %dot_general3A = arith.constant dense<0.000000e+00> : vector<1000x16xf32>
    %dot_general3A_30 = tpu.matmul %max3A_26, %get3A_29, %dot_general3A {dimension_numbers = #tpu.dot_dimension_numbers<[1], [0], [0], [1], [0, 0, 1, 1], [], []>, transpose_lhs_hint = false} : vector<1000x16xf32>, vector<16x16xf32>, vector<1000x16xf32> -> vector<1000x16xf32>
    %mul3A_31 = vector.broadcast %rsqrt3A : vector<1000x1xf32> to vector<1000x16xf32>
    %mul3A_32 = arith.mulf %dot_general3A_30, %mul3A_31 : vector<1000x16xf32>
    %swap3A = arith.constant 0 : index
    %swap3A_33 = arith.constant 0 : index
    %swap3A_34 = vector.load %arg8[%swap3A, %swap3A_33] : memref<1000x16xf32, #tpu.memory_space<vmem>>, vector<1000x16xf32>
    tpu.vector_store %arg8[%swap3A, %swap3A_33], %mul3A_32 {strides = array<i32>} : memref<1000x16xf32, #tpu.memory_space<vmem>>, vector<1000x16xf32>,
    return
  }
  func.func @transform_0(%arg0: i32) -> (i32, i32) {
    %c0_i32 = arith.constant 0 : i32
    %c0_i32_0 = arith.constant 0 : i32
    return %arg0, %c0_i32 : i32, i32
  }
  func.func @transform_1(%arg0: i32) -> (i32, i32) {
    %c0_i32 = arith.constant 0 : i32
    %c0_i32_0 = arith.constant 0 : i32
    return %arg0, %c0_i32 : i32, i32
  }
  func.func @transform_2(%arg0: i32) -> (i32, i32) {
    %c0_i32 = arith.constant 0 : i32
    %c0_i32_0 = arith.constant 0 : i32
    return %arg0, %c0_i32 : i32, i32
  }
  func.func @transform_3(%arg0: i32) -> (i32, i32) {
    %c0_i32 = arith.constant 0 : i32
    %c0_i32_0 = arith.constant 0 : i32
    return %arg0, %c0_i32 : i32, i32
  }
  func.func @transform_4(%arg0: i32) -> (i32, i32) {
    %c0_i32 = arith.constant 0 : i32
    %c0_i32_0 = arith.constant 0 : i32
    return %arg0, %c0_i32 : i32, i32
  }
  func.func @transform_5(%arg0: i32) -> (i32, i32) {
    %c0_i32 = arith.constant 0 : i32
    %c0_i32_0 = arith.constant 0 : i32
    %c0_i32_1 = arith.constant 0 : i32
    return %c0_i32, %c0_i32_0 : i32, i32
  }
  func.func @transform_6(%arg0: i32) -> (i32, i32) {
    %c0_i32 = arith.constant 0 : i32
    %c0_i32_0 = arith.constant 0 : i32
    %c0_i32_1 = arith.constant 0 : i32
    return %c0_i32, %c0_i32_0 : i32, i32
  }
  func.func @transform_7(%arg0: i32) -> (i32, i32) {
    %c0_i32 = arith.constant 0 : i32
    %c0_i32_0 = arith.constant 0 : i32
    return %arg0, %c0_i32 : i32, i32
  }
}

module attributes {stable_mosaic.version = 14 : i64} {
  func.func @_tc_final_body(%arg0: i32, %arg1: memref<1000x16xf32, #tpu.memory_space<vmem>>, %arg2: memref<1000x16xf32, #tpu.memory_space<vmem>>, %arg3: memref<1000x16xf32, #tpu.memory_space<vmem>>, %arg4: memref<1000x1xf32, #tpu.memory_space<vmem>>, %arg5: memref<1000x1xf32, #tpu.memory_space<vmem>>, %arg6: memref<1x16xf32, #tpu.memory_space<vmem>>, %arg7: memref<1000x16xf32, #tpu.memory_space<vmem>>) attributes {dimension_semantics = [#tpu.dimension_semantics<arbitrary>], iteration_bounds = array<i64: 10>, scalar_prefetch = 0 : i64, scratch_operands = 0 : i64, tpu.core_type = #tpu.core_type<tc>, window_params = [{transform_indices = @transform_0, window_bounds = array<i64: 1000, 16>}, {transform_indices = @transform_1, window_bounds = array<i64: 1000, 16>}, {transform_indices = @transform_2, window_bounds = array<i64: 1000, 16>}, {transform_indices = @transform_3, window_bounds = array<i64: 1000, 1>}, {transform_indices = @transform_4, window_bounds = array<i64: 1000, 1>}, {pipeline_mode = #tpu.pipeline_mode<synchronous>, transform_indices = @transform_5, window_bounds = array<i64: 1, 16>}, {transform_indices = @transform_6, window_bounds = array<i64: 1000, 16>}]} {
    %get3A = arith.constant 0 : index
    %get3A_0 = arith.constant 0 : index
    %get3A_1 = vector.load %arg4[%get3A, %get3A_0] : memref<1000x1xf32, #tpu.memory_space<vmem>>, vector<1000x1xf32>
    %get3A_2 = arith.constant 0 : index
    %get3A_3 = arith.constant 0 : index
    %get3A_4 = vector.load %arg5[%get3A_2, %get3A_3] : memref<1000x1xf32, #tpu.memory_space<vmem>>, vector<1000x1xf32>
    %add3A = arith.addf %get3A_1, %get3A_4 : vector<1000x1xf32>
    %add3A_5 = arith.constant 1.000000e+00 : f32
    %add3A_6 = vector.broadcast %add3A_5 : f32 to vector<1000x1xf32>
    %add3A_7 = arith.addf %add3A, %add3A_6 : vector<1000x1xf32>
    %rsqrt3A = math.rsqrt %add3A_7 : vector<1000x1xf32>
    %get3A_8 = arith.constant 0 : index
    %get3A_9 = arith.constant 0 : index
    %get3A_10 = vector.load %arg1[%get3A_8, %get3A_9] : memref<1000x16xf32, #tpu.memory_space<vmem>>, vector<1000x16xf32>
    %get3A_11 = arith.constant 0 : index
    %get3A_12 = arith.constant 0 : index
    %get3A_13 = vector.load %arg2[%get3A_11, %get3A_12] : memref<1000x16xf32, #tpu.memory_space<vmem>>, vector<1000x16xf32>
    %add3A_14 = arith.addf %get3A_10, %get3A_13 : vector<1000x16xf32>
    %get3A_15 = arith.constant 0 : index
    %get3A_16 = arith.constant 0 : index
    %get3A_17 = vector.load %arg3[%get3A_15, %get3A_16] : memref<1000x16xf32, #tpu.memory_space<vmem>>, vector<1000x16xf32>
    %add3A_18 = arith.addf %add3A_14, %get3A_17 : vector<1000x16xf32>
    %mul3A = vector.broadcast %rsqrt3A : vector<1000x1xf32> to vector<1000x16xf32>
    %mul3A_19 = arith.mulf %mul3A, %add3A_18 : vector<1000x16xf32>
    %get3A_20 = arith.constant 0 : index
    %get3A_21 = arith.constant 0 : index
    %get3A_22 = vector.load %arg6[%get3A_20, %get3A_21] : memref<1x16xf32, #tpu.memory_space<vmem>>, vector<1x16xf32>
    %add3A_23 = vector.broadcast %get3A_22 : vector<1x16xf32> to vector<1000x16xf32>
    %add3A_24 = arith.addf %mul3A_19, %add3A_23 : vector<1000x16xf32>
    %max3A = arith.constant 0.000000e+00 : f32
    %max3A_25 = vector.broadcast %max3A : f32 to vector<1000x16xf32>
    %max3A_26 = arith.maximumf %add3A_24, %max3A_25 : vector<1000x16xf32>
    %swap3A = arith.constant 0 : index
    %swap3A_27 = arith.constant 0 : index
    %swap3A_28 = vector.load %arg7[%swap3A, %swap3A_27] : memref<1000x16xf32, #tpu.memory_space<vmem>>, vector<1000x16xf32>
    tpu.vector_store %arg7[%swap3A, %swap3A_27], %max3A_26 {strides = array<i32>} : memref<1000x16xf32, #tpu.memory_space<vmem>>, vector<1000x16xf32>,
    return
  }
  func.func @transform_0(%arg0: i32) -> (i32, i32) {
    %c0_i32 = arith.constant 0 : i32
    %c0_i32_0 = arith.constant 0 : i32
    return %arg0, %c0_i32 : i32, i32
  }
  func.func @transform_1(%arg0: i32) -> (i32, i32) {
    %c0_i32 = arith.constant 0 : i32
    %c0_i32_0 = arith.constant 0 : i32
    return %arg0, %c0_i32 : i32, i32
  }
  func.func @transform_2(%arg0: i32) -> (i32, i32) {
    %c0_i32 = arith.constant 0 : i32
    %c0_i32_0 = arith.constant 0 : i32
    return %arg0, %c0_i32 : i32, i32
  }
  func.func @transform_3(%arg0: i32) -> (i32, i32) {
    %c0_i32 = arith.constant 0 : i32
    %c0_i32_0 = arith.constant 0 : i32
    return %arg0, %c0_i32 : i32, i32
  }
  func.func @transform_4(%arg0: i32) -> (i32, i32) {
    %c0_i32 = arith.constant 0 : i32
    %c0_i32_0 = arith.constant 0 : i32
    return %arg0, %c0_i32 : i32, i32
  }
  func.func @transform_5(%arg0: i32) -> (i32, i32) {
    %c0_i32 = arith.constant 0 : i32
    %c0_i32_0 = arith.constant 0 : i32
    %c0_i32_1 = arith.constant 0 : i32
    return %c0_i32, %c0_i32_0 : i32, i32
  }
  func.func @transform_6(%arg0: i32) -> (i32, i32) {
    %c0_i32 = arith.constant 0 : i32
    %c0_i32_0 = arith.constant 0 : i32
    return %arg0, %c0_i32 : i32, i32
  }
}

</mosaic_0001>

<sc_bundles>
// kernel: kernel.11.cloned.1.call-start
scs
__scs_entry_jumppad:
0x0: {  	(pc) =	sbr.rel $0x88, $3  }
0x1: {  	(tag) =	ssettag $0x0;
	lr =	simm.s32 $0x1  }
0x2: {  	[smem:$0x3F9B] =	sst lr;
	_ =	strace $0xD0000000  }
0x3: {  	_ = 	snop  }
0x4: {  	_ = 	snop  }
0x5: {  	_ = 	snop  }
0x6: {  	_ = 	snop  }
0x7: {  	_ = 	snop  }
__scs_overlays_trampoline_lowered:
0x8: {  	[smem:$0x3FAA] =	sst s0  }
0x9: {  	[smem:$0x3FAB] =	sst s1  }
0xa: {  	[smem:$0x3FAC] =	sst s2  }
0xb: {  	[smem:$0x3FAD] =	sst s3  }
0xc: {  	[smem:$0x3FAE] =	sst s4  }
0xd: {  	[smem:$0x3FAF] =	sst s5  }
0xe: {  	[smem:$0x3FB0] =	sst s6  }
0xf: {  	[smem:$0x3FB1] =	sst s7  }
0x10: {  	[smem:$0x3FB2] =	sst s8  }
0x11: {  	[smem:$0x3FB3] =	sst s9;
	s0 =	simm.s32 @!p0 $0x0  }
0x12: {  	s1 =	sld [smem:$0x3F99];
	s0 =	simm.s32 @p0 $0x1  }
0x13: {  	[smem:$0x3FB4] =	sst s0;
	s0 =	simm.s32 @!p1 $0x0  }
0x14: {  	s2 =	sld [smem:$0x3F98];
	s0 =	simm.s32 @p1 $0x1  }
0x15: {  	[smem:$0x3FB5] =	sst s0;
	s0 =	simm.s32 @!p2 $0x0  }
0x16: {  	s3 =	sld [smem:$0x3FDB];
	s0 =	simm.s32 @p2 $0x1  }
0x17: {  	s4 =	simm.s32 $0x1BF5;
	[smem:$0x3FB7] =	sst s0  }
0x18: {  	s0 =	sld [smem:$0x3F9A];
	_ =	swait.ge [sflag:s4], $0x0  }
0x19: {  	s7 =	sld [smem:$0x3F9B]  }
0x1a: {  	s8 =	sadd.s32 $0xFFFFE003, lr  }
0x1b: {  	s9 =	sadd.s32 $0xFFFFFEF7, lr;
	s5 =	simm.s32 $0xFFFFFFFF;
	p2 =	slt.u32 s8, $0xFFFFF086  }
0x1c: {  	p1 =	slt.u32 s9, $0xF7A;
	s5 =	simm.s32 @!p2 $0x0  }
0x1d: {  	s5 =	simm.s32 @p1 $0x1;
	p0 =	seq.s32 s7, s2  }
0x1e: {  	s7 =	smul.u32 @!p0 $0xF7A, s2;
	p2 =	seq.s32 @!p0 s5, $0x0  }
0x1f: {  	s9 =	smul.u32 $0xF7A, s1;
	s8 =	simm.s32 @!p0 $0x1BF5;
	p2 =	por !p2, p0  }
0x20: {  	[sflag:s8] =	ssyncset.s32 @!p0 $0xFFFFF086;
	s6 =	sadd.s32 @!p0 s3, s7;
	s7 =	simm.s32 @!p0 $0x108  }
0x21: {  	s3 =	sadd.s32 s3, s9;
	s6 =	sadd.s32 @!p0 $0x88, s6;
	s7 =	simm.s32 @p2 $0x1082  }
0x22: {  	[simem:s7], [sflag:s8] =	dma.local @!p0 [hbm:s6], $0xF7A  }
0x23: {  	s9 =	sor.u32 $0xD0000000, s2;
	s6 =	simm.s32 $0x108;
	_ =	swait.ge @!p0 [sflag:s8], $0x0  }
0x24: {  	s3 =	sadd.s32 $0x88, s3;
	s6 =	simm.s32 @!p1 $0x1082;
	[sflag:s4] =	ssyncset.s32 $0xFFFFF086  }
0x25: {  	[simem:s6], [sflag:s4] =	dma.local [hbm:s3], $0xF7A  }
0x26: {  	[smem:$0x3F9B] =	sst s1;
	(tag) =	ssettag s2;
	_ =	strace s9  }
0x27: {  	s1 =	sld [smem:$0x3FAB]  }
0x28: {  	s2 =	sld [smem:$0x3FAC]  }
0x29: {  	s4 =	sld [smem:$0x3FAE]  }
0x2a: {  	p0 =	seq.s32 s5, $0x0;
	s5 =	sld [smem:$0x3FAF]  }
0x2b: {  	s6 =	sld [smem:$0x3FB0]  }
0x2c: {  	s7 =	sld [smem:$0x3FB1]  }
0x2d: {  	s3 =	simm.s32 $0x108;
	s8 =	sld [smem:$0x3FB2]  }
0x2e: {  	s3 =	simm.s32 @!p0 $0x1082;
	s9 =	sld [smem:$0x3FB3]  }
0x2f: {  	lr =	sadd.s32 s0, s3;
	s0 =	sld [smem:$0x3FAA]  }
0x30: {  	s3 =	sld [smem:$0x3FAD]  }
0x31: {  	[smem:$0x3FB6] =	sst s10  }
0x32: {  	s10 =	sld [smem:$0x3FB4];
	_ =	sdelay $0x3  }
0x33: {  	p0 =	seq.s32 s10, $0x1;
	s10 =	sld [smem:$0x3FB6];
	_ =	sdelay $0x3  }
0x34: {  	[smem:$0x3FB6] =	sst s10  }
0x35: {  	s10 =	sld [smem:$0x3FB5];
	_ =	sdelay $0x3  }
0x36: {  	p1 =	seq.s32 s10, $0x1;
	s10 =	sld [smem:$0x3FB6];
	_ =	sdelay $0x3  }
0x37: {  	[smem:$0x3FB6] =	sst s10  }
0x38: {  	s10 =	sld [smem:$0x3FB7]  }
0x39: {  	_ = 	snop;
	(pc) =	sbr.ind lr, $3  }
0x3a: {  	_ = 	snop  }
0x3b: {  	_ = 	snop  }
0x3c: {  	p2 =	seq.s32 s10, $0x1;
	s10 =	sld [smem:$0x3FB6]  }
0x3d: {  	_ =	shalt  }
0x3e: {  	_ =	shalt  }
0x3f: {  	_ =	shalt  }
0x40: {  	_ =	shalt  }
0x41: {  	_ =	shalt  }
0x42: {  	_ =	shalt  }
0x43: {  	_ =	shalt  }
0x44: {  	_ =	shalt  }
0x45: {  	_ =	shalt  }
0x46: {  	_ =	shalt  }
0x47: {  	_ =	shalt  }
0x48: {  	_ =	shalt  }
0x49: {  	_ =	shalt  }
0x4a: {  	_ =	shalt  }
0x4b: {  	_ =	shalt  }
0x4c: {  	_ =	shalt  }
0x4d: {  	_ =	shalt  }
0x4e: {  	_ =	shalt  }
0x4f: {  	_ =	shalt  }
0x50: {  	_ =	shalt  }
0x51: {  	_ =	shalt  }
0x52: {  	_ =	shalt  }
0x53: {  	_ =	shalt  }
0x54: {  	_ =	shalt  }
0x55: {  	_ =	shalt  }
0x56: {  	_ =	shalt  }
0x57: {  	_ =	shalt  }
0x58: {  	_ =	shalt  }
0x59: {  	_ =	shalt  }
0x5a: {  	_ =	shalt  }
0x5b: {  	_ =	shalt  }
0x5c: {  	_ =	shalt  }
0x5d: {  	_ =	shalt  }
0x5e: {  	_ =	shalt  }
0x5f: {  	_ =	shalt  }
0x60: {  	_ =	shalt  }
0x61: {  	_ =	shalt  }
0x62: {  	_ =	shalt  }
0x63: {  	_ =	shalt  }
0x64: {  	_ =	shalt  }
0x65: {  	_ =	shalt  }
0x66: {  	_ =	shalt  }
0x67: {  	_ =	shalt  }
0x68: {  	_ =	shalt  }
0x69: {  	_ =	shalt  }
0x6a: {  	_ =	shalt  }
0x6b: {  	_ =	shalt  }
0x6c: {  	_ =	shalt  }
0x6d: {  	_ =	shalt  }
0x6e: {  	_ =	shalt  }
0x6f: {  	_ =	shalt  }
0x70: {  	_ =	shalt  }
0x71: {  	_ =	shalt  }
0x72: {  	_ =	shalt  }
0x73: {  	_ =	shalt  }
0x74: {  	_ =	shalt  }
0x75: {  	_ =	shalt  }
0x76: {  	_ =	shalt  }
0x77: {  	_ =	shalt  }
0x78: {  	_ =	shalt  }
0x79: {  	_ =	shalt  }
0x7a: {  	_ =	shalt  }
0x7b: {  	_ =	shalt  }
0x7c: {  	_ =	shalt  }
0x7d: {  	_ =	shalt  }
0x7e: {  	_ =	shalt  }
0x7f: {  	_ =	shalt  }
0x80: {  	_ =	shalt  }
0x81: {  	_ =	shalt  }
0x82: {  	_ =	shalt  }
0x83: {  	_ =	shalt  }
0x84: {  	_ =	shalt  }
0x85: {  	_ =	shalt  }
0x86: {  	_ =	shalt  }
0x87: {  	_ =	shalt  }
.Lfunc_end0:
.L_simem_size_0:
called_computation.1_lowered:
.L_overlay_start_0:
0x88: {  	s2 =	sld [smem:$0x3FD9]  }
0x89: {  	s3 =	sld [smem:$0x3FFE];
	_ =	sdelay $0x1  }
0x8a: {  	s1 =	srdreg.scid  }
0x8b: {  	s0 =	sand.u32 $0x1, s1  }
0x8c: {  	s17 =	sshll.u32 s0, $0xA;
	s2 =	sadd.s32 s3, s2  }
0x8d: {  	s2 =	sadd.s32 s2, s17  }
0x8e: {  	[smem:$0x3FC2] =	sst s2  }
0x8f: {  	_ = 	snop  }
0x90: {  	s2 =	sld [smem:$0x3FD0];
	(tm) =	ssettm $0x1  }
0x91: {  	s18 =	sld [smem:$0x3FFB];
	_ =	sdelay $0x3  }
0x92: {  	_ =	strace s18  }
0x93: {  	s3 =	sld [smem:$0x3FFC];
	_ =	sdelay $0x3  }
0x94: {  	_ =	strace s3  }
0x95: {  	s3 =	sld [smem:$0x3FFD];
	_ =	sdelay $0x3  }
0x96: {  	_ =	strace s3  }
0x97: {  	_ =	strace $0x8FFFFFFF  }
0x98: {  	s19 =	sld [smem:$0x3FDB];
	_ =	sdelay $0x1  }
0x99: {  	s4 =	simm.s32 $_scs_section_size  }
0x9a: {  	s5 =	simm.s32 $_size__tile_overlayer_lowered;
	s6 =	simm.s32 $_tile_overlayer_lowered  }
0x9b: {  	s22 =	simm.s32 $0x1BFF;
	s21 =	sshll.u32 s6, $0x1;
	s3 =	sadd.s32 s4, s19  }
0x9c: {  	s7 =	simm.s32 $0x0;
	s20 =	sshll.u32 s5, $0x1;
	s5 =	sadd.s32 s21, s3  }
0x9d: {  	[timem:s7], [sflag:s22] =	dma.local [hbm:s5], s20  }
0x9e: {  	_ =	swait.ge [sflag:s22], s20  }
0x9f: {  	s4 =	ssub.s32 $0x0, s20;
	[sflag:s22] =	ssyncset.done $0x0  }
0xa0: {  	[sflag:s22] =	ssyncadd.s32 s4;
	_ =	sdelay $0x1  }
0xa1: {  	s23 =	simm.s32 $0x1B8B  }
0xa2: {  	_ =	swait.ge [sflag:s23], $0x1  }
0xa3: {  	[sflag:s23] =	ssyncset.done $0x0  }
0xa4: {  	s25 =	simm.s32 $0x1B8E;
	s24 =	sld [smem:$0x3FFE];
	[sflag:s23] =	ssyncadd.s32 $0xFFFFFFFF  }
0xa5: {  	s26 =	simm.s32 $execute0_lowered;
	[smem:$0x3FD2] =	sst s25  }
0xa6: {  	s5 =	sshll.u32 s26, $0x1;
	_ =	strace $0x80000049;
	[dreg:$0x1] =	wrdreg $0xFFFFFFFF  }
0xa7: {  	s28 =	simm.s32 $_size_execute0_lowered;
	s3 =	sadd.s32 s3, s5;
	[dreg:$0x0] =	wrdreg $0x0  }
0xa8: {  	s5 =	sshll.u32 s28, $0x1;
	[dreg:$0x2] =	wrdreg s3  }
0xa9: {  	[dreg:$0x3] =	wrdreg s5  }
0xaa: {  	[dreg:$0x4] =	wrdreg $0xC0  }
0xab: {  	_ =	task [dreg:s7], $0x5FFFF  }
0xac: {  	[dreg:$0x1] =	wrdreg $0xFFFFFFFF  }
0xad: {  	[dreg:$0x0] =	wrdreg $0x60  }
0xae: {  	[dreg:$0x2] =	wrdreg s2  }
0xaf: {  	[dreg:$0x3] =	wrdreg s24  }
0xb0: {  	[dreg:$0x4] =	wrdreg $0x0  }
0xb1: {  	[dreg:$0x5] =	wrdreg $0x9  }
0xb2: {  	_ =	task.clear_ibuf [dreg:s7], $0x6FFFF;
	_ =	strace $0x90000049  }
0xb3: {  	s29 =	simm.s32 $0x9;
	_ =	strace $0x8000004B  }
0xb4: {  	_ =	swait.ge [sflag:s29], $0x1  }
0xb5: {  	[sflag:s29] =	ssyncadd.s32 $0xFFFFFFFF  }
0xb6: {  	_ =	strace $0x9000004B  }
0xb7: {  	_ =	sfence  }
0xb8: {  	s30 =	sld [smem:$0x0];
	_ =	sdelay $0x2  }
0xb9: {  	s31 =	sshll.u32 s1, $0xD;
	s1 =	sshrl.u32 s1, $0x2  }
0xba: {  	s3 =	sand.u32 $0x4000, s31;
	s1 =	sadd.s32 s1, s30  }
0xbb: {  	s0 =	sor.u32 s3, s0;
	s1 =	sshll.u32 s1, $0x11  }
0xbc: {  	s0 =	sor.u32 s1, s0  }
0xbd: {  	s0 =	sadd.s32 $0x8F2B, s0  }
0xbe: {  	[sflag:s0] =	ssyncadd.remote.s32 $0x1  }
0xbf: {  	_ =	sfence.sel $0xFFFF  }
0xc0: {  	[dreg:$0x0] =	wrdreg $0xFFFFFFFF;
	(pc) =	sbr.abs _section_cstart, $3  }
0xc1: {  	[dreg:$0x1] =	wrdreg $0xFFFFFFFF  }
0xc2: {  	_ =	task.clear_ibuf [dreg:s7], $0x2FFFF;
	_ =	strace $0x9FFFFFFF  }
0xc3: {  	(tm) =	ssettm $0x7FFFFFFF  }
tec
execute0_lowered:
.L_overlay_start_1:
0x0: {  	(tag) =	ssettag $0x1  }
0x1: {  	s1 =	rddreg [dreg:$0x0]  }
0x2: {  	s0 =	rddreg [dreg:$0x1]  }
0x3: {  	s2 =	rddreg [dreg:$0x2]  }
0x4: {  	s3 =	srdreg.scid;
	s4 =	simm.s32 $0x0;
	s12 =	stileid.u32  }
0x5: {  	s28 =	simm.s32 $0x5;
	s29 =	simm.s32 $0x2800;
	s6 =	smul.u32 $0xA000, s12  }
0x6: {  	s30 =	simm.s32 $0x2900;
	s31 =	simm.s32 $0x1;
	s10 =	smul.u32 $0x2800, s12  }
0x7: {  	s3 =	sand.u32 $0x1, s3;
	[smem:$0x7FF] =	sst s4;
	s22 =	smul.u32 $0x5200, s12  }
0x8: {  	s5 =	sshll.u32 s3, $0x4;
	_ =	strace $0x8000004A;
	s26 =	smul.u32 $0x28000, s3  }
0x9: {  	s7 =	ssub.s32 $0x2, s3;
	s3 =	smul.u32 $0x52000, s3;
	s5 =	sor.u32 s12, s5  }
0xa: {  	s9 =	sshrl.u32 s7, $0x1;
	s6 =	sshrl.u32 s6, $0x2;
	s11 =	sadd.s32 s10, s2  }
0xb: {  	s17 =	sadd.s32 $0x800, s10;
	s21 =	sadd.s32 $0x1000, s10;
	s23 =	sadd.s32 $0x1800, s10  }
0xc: {  	s12 =	simm.s32 $0x2980;
	s8 =	smul.u32 $0x5200, s5;
	s5 =	sadd.s32 $0x2800, s0  }
0xd: {  	s0 =	sadd.s32 $0x8E200, s0;
	s7 =	ssub.s32 s7, s9;
	s6 =	sadd.s32 s6, s2  }
0xe: {  	[dreg:$0x6] =	wrdreg s11;
	s16 =	sadd.s32 s26, s10;
	s18 =	sadd.s32 s26, s17  }
0xf: {  	s19 =	sadd.s32 s17, s2;
	s10 =	sadd.s32 $0x2000, s10;
	s3 =	sadd.s32 s22, s3  }
0x10: {  	s24 =	sadd.s32 s26, s23;
	s22 =	sadd.s32 s23, s2;
	s9 =	simm.s32 $0x3  }
0x11: {  	s7 =	smax.u32 s7, $0x1;
	s13 =	sadd.s32 $0x800, s6;
	[dreg:$0xd] =	wrdreg s19  }
0x12: {  	s14 =	sadd.s32 $0x1000, s6;
	s15 =	sadd.s32 $0x1800, s6;
	[dreg:$0x7] =	wrdreg s7  }
0x13: {  	s11 =	sadd.s32 $0x2000, s6;
	s20 =	sshrl.u32 s18, $0x3;
	[dreg:$0x8] =	wrdreg s13  }
0x14: {  	s18 =	sadd.s32 s21, s2;
	s25 =	sshrl.u32 s24, $0x3;
	[dreg:$0x9] =	wrdreg s14  }
0x15: {  	s23 =	sadd.s32 s10, s2;
	s8 =	sshrl.u32 s8, $0x3;
	[dreg:$0xa] =	wrdreg s15  }
0x16: {  	[dreg:$0xb] =	wrdreg s11;
	s7 =	sshrl.u32 s16, $0x3;
	s17 =	sadd.s32 s0, s20  }
0x17: {  	s20 =	sadd.s32 s0, s25;
	s25 =	sadd.s32 $0x200, s3;
	s8 =	sadd.s32 s5, s8  }
0x18: {  	s11 =	simm.s32 $0x4;
	s7 =	sadd.s32 s0, s7;
	[dreg:$0x4] =	wrdreg s8  }
0x19: {  	s8 =	sadd.s32 $0x20, s8;
	[dreg:$0xc] =	wrdreg s7;
	s7 =	sadd.s32 s26, s21  }
0x1a: {  	s13 =	simm.s32 $0x0;
	[dreg:$0x5] =	wrdreg s8;
	s7 =	sshrl.u32 s7, $0x3  }
0x1b: {  	s8 =	sadd.s32 s26, s10;
	s26 =	sadd.s32 $0x300, s3;
	s3 =	simm.s32 $0x2  }
0x1c: {  	s10 =	simm.s32 $0x2880;
	s19 =	sadd.s32 s0, s7;
	s8 =	sshrl.u32 s8, $0x3  }
0x1d: {  	s21 =	sadd.s32 s0, s8;
	s0 =	sshrl.u32 s26, $0x3;
	s26 =	simm.s32 $0x2A00  }
0x1e: {  	v0 =	vimm.f32 $0.0e+00;
	s8 =	simm.s32 $0x3200;
	s24 =	sadd.s32 s0, s5;
	s0 =	simm.s32 $0x80  }
.LBB2_1:
0x1f: {  	s7 =	simm.s32 $0x40;
	s14 =	simm.s32 $0x0  }
.LBB2_2:
0x20: {  	p0 =	sne.s32 s7, $0x1FC0;
	[tilespmem:s14+$0x2A00] =	vst v0;
	s14 =	smov.u32 s7;
	s7 =	sadd.s32 $0x40, s7  }
.Ltmp0:
0x21: {  	(pc) =	sbr.rel @p0 .LBB2_2-.Ltmp0, $2  }
0x22: {  	_ =	sdelay $0x2  }
0x23: {  	s14 =	sshra.s32 s14, $0x2  }
0x24: {  	[tilespmem:s14+$0x2A00] =	vst v0  }
0x25: {  	[spmem:s6] =	stream.linear.scatter [tilespmem:s26], [sflag:$0x5], $0x800, $0x38;
	[tilespmem:$0x3A00] =	vst v63  }
0x26: {  	_ =	swait.ge [sflag:s28], $0x800  }
0x27: {  	[sflag:s28] =	ssyncset.done $0x0  }
0x28: {  	s7 =	rddreg [dreg:$0x8];
	[sflag:s28] =	ssyncadd.s32 $0xFFFFF800  }
0x29: {  	[spmem:s7] =	stream.linear.scatter [tilespmem:s26], [sflag:$0x5], $0x800, $0x38;
	[tilespmem:$0x3A00] =	vst v63  }
0x2a: {  	_ =	swait.ge [sflag:s28], $0x800  }
0x2b: {  	[sflag:s28] =	ssyncset.done $0x0  }
0x2c: {  	s16 =	rddreg [dreg:$0x9];
	[sflag:s28] =	ssyncadd.s32 $0xFFFFF800  }
0x2d: {  	[spmem:s16] =	stream.linear.scatter [tilespmem:s26], [sflag:$0x5], $0x800, $0x38;
	[tilespmem:$0x3A00] =	vst v63  }
0x2e: {  	_ =	swait.ge [sflag:s28], $0x800  }
0x2f: {  	[sflag:s28] =	ssyncset.done $0x0  }
0x30: {  	s14 =	rddreg [dreg:$0xa];
	[sflag:s28] =	ssyncadd.s32 $0xFFFFF800  }
0x31: {  	[spmem:s14] =	stream.linear.scatter [tilespmem:s26], [sflag:$0x5], $0x800, $0x38;
	[tilespmem:$0x3A00] =	vst v63  }
0x32: {  	_ =	swait.ge [sflag:s28], $0x800  }
0x33: {  	[sflag:s28] =	ssyncset.done $0x0  }
0x34: {  	s15 =	rddreg [dreg:$0xb];
	[sflag:s28] =	ssyncadd.s32 $0xFFFFF800  }
0x35: {  	[spmem:s15] =	stream.linear.scatter [tilespmem:s26], [sflag:$0x5], $0x800, $0x38;
	[tilespmem:$0x3A00] =	vst v63  }
0x36: {  	_ =	swait.ge [sflag:s28], $0x800  }
0x37: {  	[sflag:s28] =	ssyncset.done $0x0  }
0x38: {  	[sflag:s28] =	ssyncadd.s32 $0xFFFFF800  }
0x39: {  	[bflag:$0x0] =	sbarrier.arrive $0xFFFF  }
0x3a: {  	s7 =	simm.s32 $0x0;
	s16 =	rddreg [dreg:$0x4]  }
0x3b: {  	[tilespmem:s29], [sflag:$0x1] =	stream.linear.gather [hbm4b:s16+s7], $0x100, $0x38;
	[tilespmem:$0x3A00] =	vst v63  }
0x3c: {  	s15 =	rddreg [dreg:$0x5]  }
0x3d: {  	[tilespmem:s30], [sflag:$0x2] =	stream.linear.gather [hbm4b:s15+s7], $0x100, $0x38;
	[tilespmem:$0x3A00] =	vst v63  }
0x3e: {  	_ =	swait.ge [sflag:s31], $0x100  }
0x3f: {  	[sflag:s31] =	ssyncset.done $0x0  }
0x40: {  	[sflag:s31] =	ssyncadd.s32 $0xFFFFFF00  }
0x41: {  	[tilespmem:s26], [sflag:$0x3] =	stream.indirect.gather [hbm4b:s1+s0], $0x10, s29, s0, $0xb8;
	[tilespmem:$0x3A00] =	vst v63  }
0x42: {  	_ =	swait.ge [sflag:s3], $0x100  }
0x43: {  	[sflag:s3] =	ssyncset.done $0x0  }
0x44: {  	[sflag:s3] =	ssyncadd.s32 $0xFFFFFF00  }
0x45: {  	[tilespmem:s8], [sflag:$0x4] =	stream.indirect.gather [hbm4b:s1+s0], $0x10, s30, s0, $0xb8;
	[tilespmem:$0x3A00] =	vst v63  }
0x46: {  	_ =	swait.ge [sflag:s9], $0x800  }
0x47: {  	[sflag:s9] =	ssyncset.done $0x0  }
0x48: {  	[sflag:s9] =	ssyncadd.s32 $0xFFFFF800  }
0x49: {  	[spmem:s2] =	stream.indirect.scatter.add.f32 [tilespmem:s26], [sflag:$0x5], $0x10, s10, s0, $0xb8;
	[tilespmem:$0x3A00] =	vst v63  }
0x4a: {  	_ =	swait.ge [sflag:s28], $0x800  }
0x4b: {  	s16 =	sshrl.u32 s25, $0x3;
	[sflag:s28] =	ssyncset.done $0x0  }
0x4c: {  	s7 =	sadd.s32 s5, s16;
	[sflag:s28] =	ssyncadd.s32 $0xFFFFF800  }
0x4d: {  	[tilespmem:s29], [sflag:$0x1] =	stream.linear.gather [hbm4b:s7+s4], $0x100, $0x38;
	[tilespmem:$0x3A00] =	vst v63  }
0x4e: {  	_ =	swait.ge [sflag:s31], $0x100  }
0x4f: {  	[sflag:s31] =	ssyncset.done $0x0  }
0x50: {  	[sflag:s31] =	ssyncadd.s32 $0xFFFFFF00  }
0x51: {  	[tilespmem:s26], [sflag:$0x3] =	stream.indirect.gather [hbm4b:s1+s0], $0x10, s29, s0, $0xb8;
	[tilespmem:$0x3A00] =	vst v63  }
0x52: {  	_ =	swait.ge [sflag:s11], $0x800  }
0x53: {  	[sflag:s11] =	ssyncset.done $0x0  }
0x54: {  	[sflag:s11] =	ssyncadd.s32 $0xFFFFF800  }
0x55: {  	[spmem:s2] =	stream.indirect.scatter.add.f32 [tilespmem:s8], [sflag:$0x5], $0x10, s12, s0, $0xb8;
	[tilespmem:$0x3A00] =	vst v63  }
0x56: {  	_ =	swait.ge [sflag:s28], $0x800  }
0x57: {  	s14 =	sadd.s32 $0x200, s25;
	[sflag:s28] =	ssyncset.done $0x0  }
0x58: {  	s15 =	sadd.s32 $0x0, s24;
	s7 =	simm.s32 $0x40;
	[sflag:s28] =	ssyncadd.s32 $0xFFFFF800  }
.LBB2_4:
0x59: {  	[tilespmem:s30], [sflag:$0x2] =	stream.linear.gather [hbm4b:s15+s4], $0x100, $0x38;
	[tilespmem:$0x3A00] =	vst v63  }
0x5a: {  	s15 =	smov.u32 s7  }
0x5b: {  	p0 =	sne.s32 s7, $0x9C0;
	s7 =	sadd.s32 $0x40, s7;
	_ =	swait.ge [sflag:s3], $0x100  }
0x5c: {  	[sflag:s3] =	ssyncset.done $0x0  }
0x5d: {  	[sflag:s3] =	ssyncadd.s32 $0xFFFFFF00  }
0x5e: {  	[tilespmem:s8], [sflag:$0x4] =	stream.indirect.gather [hbm4b:s1+s0], $0x10, s30, s0, $0xb8;
	[tilespmem:$0x3A00] =	vst v63  }
0x5f: {  	_ =	swait.ge [sflag:s9], $0x800  }
0x60: {  	[sflag:s9] =	ssyncset.done $0x0  }
0x61: {  	[sflag:s9] =	ssyncadd.s32 $0xFFFFF800  }
0x62: {  	[spmem:s2] =	stream.indirect.scatter.add.f32 [tilespmem:s26], [sflag:$0x5], $0x10, s10, s0, $0xb8;
	[tilespmem:$0x3A00] =	vst v63  }
0x63: {  	_ =	swait.ge [sflag:s28], $0x800  }
0x64: {  	s16 =	sshrl.u32 s14, $0x3;
	[sflag:s28] =	ssyncset.done $0x0  }
0x65: {  	s16 =	sadd.s32 s5, s16;
	[sflag:s28] =	ssyncadd.s32 $0xFFFFF800  }
0x66: {  	[tilespmem:s29], [sflag:$0x1] =	stream.linear.gather [hbm4b:s16+s4], $0x100, $0x38;
	[tilespmem:$0x3A00] =	vst v63  }
0x67: {  	_ =	swait.ge [sflag:s31], $0x100  }
0x68: {  	[sflag:s31] =	ssyncset.done $0x0  }
0x69: {  	[sflag:s31] =	ssyncadd.s32 $0xFFFFFF00  }
0x6a: {  	[tilespmem:s26], [sflag:$0x3] =	stream.indirect.gather [hbm4b:s1+s0], $0x10, s29, s0, $0xb8;
	[tilespmem:$0x3A00] =	vst v63  }
0x6b: {  	_ =	swait.ge [sflag:s11], $0x800  }
0x6c: {  	[sflag:s11] =	ssyncset.done $0x0  }
.Ltmp1:
0x6d: {  	[sflag:s11] =	ssyncadd.s32 $0xFFFFF800;
	(pc) =	sbr.rel @p0 .LBB2_4-.Ltmp1, $4  }
0x6e: {  	[spmem:s2] =	stream.indirect.scatter.add.f32 [tilespmem:s8], [sflag:$0x5], $0x10, s12, s0, $0xb8;
	[tilespmem:$0x3A00] =	vst v63  }
0x6f: {  	_ =	swait.ge [sflag:s28], $0x800  }
0x70: {  	[sflag:s28] =	ssyncset.done $0x0  }
0x71: {  	s14 =	sadd.s32 $0x200, s14;
	s15 =	sadd.s32 s15, s24;
	[sflag:s28] =	ssyncadd.s32 $0xFFFFF800  }
0x72: {  	[tilespmem:s30], [sflag:$0x2] =	stream.linear.gather [hbm4b:s15+s4], $0x100, $0x38;
	[tilespmem:$0x3A00] =	vst v63  }
0x73: {  	_ =	swait.ge [sflag:s9], $0x800  }
0x74: {  	[sflag:s9] =	ssyncset.done $0x0  }
0x75: {  	[sflag:s9] =	ssyncadd.s32 $0xFFFFF800  }
0x76: {  	_ =	swait.ge [sflag:s3], $0x100  }
0x77: {  	[sflag:s3] =	ssyncset.done $0x0  }
0x78: {  	[sflag:s3] =	ssyncadd.s32 $0xFFFFFF00  }
0x79: {  	[bflag:$0x0] =	sbarrier.arrive $0xFFFF  }
0x7a: {  	s7 =	rddreg [dreg:$0x6]  }
0x7b: {  	[tilespmem:s26], [sflag:$0x5] =	stream.linear.gather [spmem:s7], $0x800, $0x38;
	[tilespmem:$0x3A00] =	vst v63  }
0x7c: {  	_ =	swait.ge [sflag:s28], $0x800  }
0x7d: {  	[sflag:s28] =	ssyncset.done $0x0  }
0x7e: {  	s14 =	rddreg [dreg:$0xc];
	[sflag:s28] =	ssyncadd.s32 $0xFFFFF800  }
0x7f: {  	[hbm4b:s14+s4] =	stream.linear.scatter [tilespmem:s26], [sflag:$0x5], $0x800, $0x38;
	[tilespmem:$0x3A00] =	vst v63  }
0x80: {  	_ =	swait.ge [sflag:s28], $0x800  }
0x81: {  	[sflag:s28] =	ssyncset.done $0x0  }
0x82: {  	s15 =	rddreg [dreg:$0xd];
	[sflag:s28] =	ssyncadd.s32 $0xFFFFF800  }
0x83: {  	[tilespmem:s26], [sflag:$0x5] =	stream.linear.gather [spmem:s15], $0x800, $0x38;
	[tilespmem:$0x3A00] =	vst v63  }
0x84: {  	_ =	swait.ge [sflag:s28], $0x800  }
0x85: {  	[sflag:s28] =	ssyncset.done $0x0  }
0x86: {  	[sflag:s28] =	ssyncadd.s32 $0xFFFFF800  }
0x87: {  	[hbm4b:s17+s4] =	stream.linear.scatter [tilespmem:s26], [sflag:$0x5], $0x800, $0x38;
	[tilespmem:$0x3A00] =	vst v63  }
0x88: {  	_ =	swait.ge [sflag:s28], $0x800  }
0x89: {  	[sflag:s28] =	ssyncset.done $0x0  }
0x8a: {  	[sflag:s28] =	ssyncadd.s32 $0xFFFFF800  }
0x8b: {  	[tilespmem:s26], [sflag:$0x5] =	stream.linear.gather [spmem:s18], $0x800, $0x38;
	[tilespmem:$0x3A00] =	vst v63  }
0x8c: {  	_ =	swait.ge [sflag:s28], $0x800  }
0x8d: {  	[sflag:s28] =	ssyncset.done $0x0  }
0x8e: {  	[sflag:s28] =	ssyncadd.s32 $0xFFFFF800  }
0x8f: {  	[hbm4b:s19+s4] =	stream.linear.scatter [tilespmem:s26], [sflag:$0x5], $0x800, $0x38;
	[tilespmem:$0x3A00] =	vst v63  }
0x90: {  	_ =	swait.ge [sflag:s28], $0x800  }
0x91: {  	[sflag:s28] =	ssyncset.done $0x0  }
0x92: {  	[sflag:s28] =	ssyncadd.s32 $0xFFFFF800  }
0x93: {  	[tilespmem:s26], [sflag:$0x5] =	stream.linear.gather [spmem:s22], $0x800, $0x38;
	[tilespmem:$0x3A00] =	vst v63  }
0x94: {  	_ =	swait.ge [sflag:s28], $0x800  }
0x95: {  	[sflag:s28] =	ssyncset.done $0x0  }
0x96: {  	[sflag:s28] =	ssyncadd.s32 $0xFFFFF800  }
0x97: {  	[hbm4b:s20+s4] =	stream.linear.scatter [tilespmem:s26], [sflag:$0x5], $0x800, $0x38;
	[tilespmem:$0x3A00] =	vst v63  }
0x98: {  	_ =	swait.ge [sflag:s28], $0x800  }
0x99: {  	[sflag:s28] =	ssyncset.done $0x0  }
0x9a: {  	[sflag:s28] =	ssyncadd.s32 $0xFFFFF800  }
0x9b: {  	[tilespmem:s26], [sflag:$0x5] =	stream.linear.gather [spmem:s23], $0x800, $0x38;
	[tilespmem:$0x3A00] =	vst v63  }
0x9c: {  	_ =	swait.ge [sflag:s28], $0x800  }
0x9d: {  	[sflag:s28] =	ssyncset.done $0x0  }
0x9e: {  	[sflag:s28] =	ssyncadd.s32 $0xFFFFF800  }
0x9f: {  	[hbm4b:s21+s4] =	stream.linear.scatter [tilespmem:s26], [sflag:$0x5], $0x800, $0x38;
	[tilespmem:$0x3A00] =	vst v63  }
0xa0: {  	_ =	swait.ge [sflag:s28], $0x800  }
0xa1: {  	s13 =	sadd.s32 $0x1, s13;
	s16 =	rddreg [dreg:$0x7]  }
0xa2: {  	p0 =	sne.s32 s13, s16  }
.Ltmp2:
0xa3: {  	_ = 	snop;
	(pc) =	sbr.rel @p0 .LBB2_1-.Ltmp2, $3  }
0xa4: {  	_ =	sdelay $0x1  }
0xa5: {  	[sflag:s28] =	ssyncset.done $0x0  }
0xa6: {  	[sflag:s28] =	ssyncadd.s32 $0xFFFFF800  }
0xa7: {  	_ =	sfence.sel $0x180000  }
0xa8: {  	[bflag:$0x0] =	sbarrier.arrive $0xFFFF  }
0xa9: {  	_ =	strace $0x9000004A  }
0xaa: {  	s0 =	stileid.u32;
	[bflag:$0x2] =	sbarrier.arrive $0xFFFF  }
0xab: {  	p0 =	sne.s32 s0, $0x0;
	s0 =	rddreg [dreg:$0x3]  }
0xac: {  	s0 =	sadd.s32 @!p0 $0x100000, s0  }
0xad: {  	[sflag:s0] =	ssyncadd.tile.s32 @!p0 $0x1;
	_ =	shalt  }
.Lfunc_end2:
_tile_overlayer_lowered:
.L_overlay_start_2:
0xae: {  	(tag) =	ssettag $0x2  }
0xaf: {  	s0 =	rddreg [dreg:$0x0];
	s2 =	stileid.u32  }
0xb0: {  	s1 =	rddreg [dreg:$0x1];
	p0 =	sne.s32 s2, $0x0  }
0xb1: {  	s3 =	rddreg [dreg:$0x2];
	[bflag:$0x3] =	sbarrier.arrive $0xFFFF;
	s2 =	simm.s32 @!p0 $0x1C05  }
0xb2: {  	[timem:s3], [sflag:s2] =	dma.local @!p0 [hbm:s0], s1  }
0xb3: {  	s0 =	simm.s32 @!p0 $0x5  }
0xb4: {  	_ =	swait.ge @!p0 [sflag:s0], s1  }
0xb5: {  	s1 =	ssub.s32 @!p0 $0x0, s1;
	[sflag:s0] =	ssyncset.done @!p0 $0x0  }
0xb6: {  	[sflag:s0] =	ssyncadd.s32 @!p0 s1  }
0xb7: {  	[bflag:$0x3] =	sbarrier.arrive $0xFFFF  }
0xb8: {  	_ =	shalt  }

// kernel: kernel.14.cloned.1.call-start
scs
__scs_entry_jumppad:
0x0: {  	(pc) =	sbr.rel $0x88, $3  }
0x1: {  	(tag) =	ssettag $0x0;
	lr =	simm.s32 $0x1  }
0x2: {  	[smem:$0x3F9B] =	sst lr;
	_ =	strace $0xD0000000  }
0x3: {  	_ = 	snop  }
0x4: {  	_ = 	snop  }
0x5: {  	_ = 	snop  }
0x6: {  	_ = 	snop  }
0x7: {  	_ = 	snop  }
__scs_overlays_trampoline_lowered:
0x8: {  	[smem:$0x3FAA] =	sst s0  }
0x9: {  	[smem:$0x3FAB] =	sst s1  }
0xa: {  	[smem:$0x3FAC] =	sst s2  }
0xb: {  	[smem:$0x3FAD] =	sst s3  }
0xc: {  	[smem:$0x3FAE] =	sst s4  }
0xd: {  	[smem:$0x3FAF] =	sst s5  }
0xe: {  	[smem:$0x3FB0] =	sst s6  }
0xf: {  	[smem:$0x3FB1] =	sst s7  }
0x10: {  	[smem:$0x3FB2] =	sst s8  }
0x11: {  	[smem:$0x3FB3] =	sst s9;
	s0 =	simm.s32 @!p0 $0x0  }
0x12: {  	s1 =	sld [smem:$0x3F99];
	s0 =	simm.s32 @p0 $0x1  }
0x13: {  	[smem:$0x3FB4] =	sst s0;
	s0 =	simm.s32 @!p1 $0x0  }
0x14: {  	s2 =	sld [smem:$0x3F98];
	s0 =	simm.s32 @p1 $0x1  }
0x15: {  	[smem:$0x3FB5] =	sst s0;
	s0 =	simm.s32 @!p2 $0x0  }
0x16: {  	s3 =	sld [smem:$0x3FDB];
	s0 =	simm.s32 @p2 $0x1  }
0x17: {  	s4 =	simm.s32 $0x1BF5;
	[smem:$0x3FB7] =	sst s0  }
0x18: {  	s0 =	sld [smem:$0x3F9A];
	_ =	swait.ge [sflag:s4], $0x0  }
0x19: {  	s7 =	sld [smem:$0x3F9B]  }
0x1a: {  	s8 =	sadd.s32 $0xFFFFE003, lr  }
0x1b: {  	s9 =	sadd.s32 $0xFFFFFEF7, lr;
	s5 =	simm.s32 $0xFFFFFFFF;
	p2 =	slt.u32 s8, $0xFFFFF086  }
0x1c: {  	p1 =	slt.u32 s9, $0xF7A;
	s5 =	simm.s32 @!p2 $0x0  }
0x1d: {  	s5 =	simm.s32 @p1 $0x1;
	p0 =	seq.s32 s7, s2  }
0x1e: {  	s7 =	smul.u32 @!p0 $0xF7A, s2;
	p2 =	seq.s32 @!p0 s5, $0x0  }
0x1f: {  	s9 =	smul.u32 $0xF7A, s1;
	s8 =	simm.s32 @!p0 $0x1BF5;
	p2 =	por !p2, p0  }
0x20: {  	[sflag:s8] =	ssyncset.s32 @!p0 $0xFFFFF086;
	s6 =	sadd.s32 @!p0 s3, s7;
	s7 =	simm.s32 @!p0 $0x108  }
0x21: {  	s3 =	sadd.s32 s3, s9;
	s6 =	sadd.s32 @!p0 $0x88, s6;
	s7 =	simm.s32 @p2 $0x1082  }
0x22: {  	[simem:s7], [sflag:s8] =	dma.local @!p0 [hbm:s6], $0xF7A  }
0x23: {  	s9 =	sor.u32 $0xD0000000, s2;
	s6 =	simm.s32 $0x108;
	_ =	swait.ge @!p0 [sflag:s8], $0x0  }
0x24: {  	s3 =	sadd.s32 $0x88, s3;
	s6 =	simm.s32 @!p1 $0x1082;
	[sflag:s4] =	ssyncset.s32 $0xFFFFF086  }
0x25: {  	[simem:s6], [sflag:s4] =	dma.local [hbm:s3], $0xF7A  }
0x26: {  	[smem:$0x3F9B] =	sst s1;
	(tag) =	ssettag s2;
	_ =	strace s9  }
0x27: {  	s1 =	sld [smem:$0x3FAB]  }
0x28: {  	s2 =	sld [smem:$0x3FAC]  }
0x29: {  	s4 =	sld [smem:$0x3FAE]  }
0x2a: {  	p0 =	seq.s32 s5, $0x0;
	s5 =	sld [smem:$0x3FAF]  }
0x2b: {  	s6 =	sld [smem:$0x3FB0]  }
0x2c: {  	s7 =	sld [smem:$0x3FB1]  }
0x2d: {  	s3 =	simm.s32 $0x108;
	s8 =	sld [smem:$0x3FB2]  }
0x2e: {  	s3 =	simm.s32 @!p0 $0x1082;
	s9 =	sld [smem:$0x3FB3]  }
0x2f: {  	lr =	sadd.s32 s0, s3;
	s0 =	sld [smem:$0x3FAA]  }
0x30: {  	s3 =	sld [smem:$0x3FAD]  }
0x31: {  	[smem:$0x3FB6] =	sst s10  }
0x32: {  	s10 =	sld [smem:$0x3FB4];
	_ =	sdelay $0x3  }
0x33: {  	p0 =	seq.s32 s10, $0x1;
	s10 =	sld [smem:$0x3FB6];
	_ =	sdelay $0x3  }
0x34: {  	[smem:$0x3FB6] =	sst s10  }
0x35: {  	s10 =	sld [smem:$0x3FB5];
	_ =	sdelay $0x3  }
0x36: {  	p1 =	seq.s32 s10, $0x1;
	s10 =	sld [smem:$0x3FB6];
	_ =	sdelay $0x3  }
0x37: {  	[smem:$0x3FB6] =	sst s10  }
0x38: {  	s10 =	sld [smem:$0x3FB7]  }
0x39: {  	_ = 	snop;
	(pc) =	sbr.ind lr, $3  }
0x3a: {  	_ = 	snop  }
0x3b: {  	_ = 	snop  }
0x3c: {  	p2 =	seq.s32 s10, $0x1;
	s10 =	sld [smem:$0x3FB6]  }
0x3d: {  	_ =	shalt  }
0x3e: {  	_ =	shalt  }
0x3f: {  	_ =	shalt  }
0x40: {  	_ =	shalt  }
0x41: {  	_ =	shalt  }
0x42: {  	_ =	shalt  }
0x43: {  	_ =	shalt  }
0x44: {  	_ =	shalt  }
0x45: {  	_ =	shalt  }
0x46: {  	_ =	shalt  }
0x47: {  	_ =	shalt  }
0x48: {  	_ =	shalt  }
0x49: {  	_ =	shalt  }
0x4a: {  	_ =	shalt  }
0x4b: {  	_ =	shalt  }
0x4c: {  	_ =	shalt  }
0x4d: {  	_ =	shalt  }
0x4e: {  	_ =	shalt  }
0x4f: {  	_ =	shalt  }
0x50: {  	_ =	shalt  }
0x51: {  	_ =	shalt  }
0x52: {  	_ =	shalt  }
0x53: {  	_ =	shalt  }
0x54: {  	_ =	shalt  }
0x55: {  	_ =	shalt  }
0x56: {  	_ =	shalt  }
0x57: {  	_ =	shalt  }
0x58: {  	_ =	shalt  }
0x59: {  	_ =	shalt  }
0x5a: {  	_ =	shalt  }
0x5b: {  	_ =	shalt  }
0x5c: {  	_ =	shalt  }
0x5d: {  	_ =	shalt  }
0x5e: {  	_ =	shalt  }
0x5f: {  	_ =	shalt  }
0x60: {  	_ =	shalt  }
0x61: {  	_ =	shalt  }
0x62: {  	_ =	shalt  }
0x63: {  	_ =	shalt  }
0x64: {  	_ =	shalt  }
0x65: {  	_ =	shalt  }
0x66: {  	_ =	shalt  }
0x67: {  	_ =	shalt  }
0x68: {  	_ =	shalt  }
0x69: {  	_ =	shalt  }
0x6a: {  	_ =	shalt  }
0x6b: {  	_ =	shalt  }
0x6c: {  	_ =	shalt  }
0x6d: {  	_ =	shalt  }
0x6e: {  	_ =	shalt  }
0x6f: {  	_ =	shalt  }
0x70: {  	_ =	shalt  }
0x71: {  	_ =	shalt  }
0x72: {  	_ =	shalt  }
0x73: {  	_ =	shalt  }
0x74: {  	_ =	shalt  }
0x75: {  	_ =	shalt  }
0x76: {  	_ =	shalt  }
0x77: {  	_ =	shalt  }
0x78: {  	_ =	shalt  }
0x79: {  	_ =	shalt  }
0x7a: {  	_ =	shalt  }
0x7b: {  	_ =	shalt  }
0x7c: {  	_ =	shalt  }
0x7d: {  	_ =	shalt  }
0x7e: {  	_ =	shalt  }
0x7f: {  	_ =	shalt  }
0x80: {  	_ =	shalt  }
0x81: {  	_ =	shalt  }
0x82: {  	_ =	shalt  }
0x83: {  	_ =	shalt  }
0x84: {  	_ =	shalt  }
0x85: {  	_ =	shalt  }
0x86: {  	_ =	shalt  }
0x87: {  	_ =	shalt  }
.Lfunc_end0:
.L_simem_size_0:
called_computation.2_lowered:
.L_overlay_start_0:
0x88: {  	s2 =	sld [smem:$0x3FD9]  }
0x89: {  	s3 =	sld [smem:$0x3FFE];
	_ =	sdelay $0x1  }
0x8a: {  	s1 =	srdreg.scid  }
0x8b: {  	s0 =	sand.u32 $0x1, s1  }
0x8c: {  	s17 =	sshll.u32 s0, $0xA;
	s2 =	sadd.s32 s3, s2  }
0x8d: {  	s2 =	sadd.s32 s2, s17  }
0x8e: {  	[smem:$0x3FC2] =	sst s2  }
0x8f: {  	_ = 	snop  }
0x90: {  	s2 =	sld [smem:$0x3FD0];
	(tm) =	ssettm $0x1  }
0x91: {  	s18 =	sld [smem:$0x3FFB];
	_ =	sdelay $0x3  }
0x92: {  	_ =	strace s18  }
0x93: {  	s3 =	sld [smem:$0x3FFC];
	_ =	sdelay $0x3  }
0x94: {  	_ =	strace s3  }
0x95: {  	s3 =	sld [smem:$0x3FFD];
	_ =	sdelay $0x3  }
0x96: {  	_ =	strace s3  }
0x97: {  	_ =	strace $0x8FFFFFFF  }
0x98: {  	s19 =	sld [smem:$0x3FDB];
	_ =	sdelay $0x1  }
0x99: {  	s4 =	simm.s32 $_scs_section_size  }
0x9a: {  	s5 =	simm.s32 $_size__tile_overlayer_lowered;
	s6 =	simm.s32 $_tile_overlayer_lowered  }
0x9b: {  	s22 =	simm.s32 $0x1BFF;
	s21 =	sshll.u32 s6, $0x1;
	s3 =	sadd.s32 s4, s19  }
0x9c: {  	s7 =	simm.s32 $0x0;
	s20 =	sshll.u32 s5, $0x1;
	s5 =	sadd.s32 s21, s3  }
0x9d: {  	[timem:s7], [sflag:s22] =	dma.local [hbm:s5], s20  }
0x9e: {  	_ =	swait.ge [sflag:s22], s20  }
0x9f: {  	s4 =	ssub.s32 $0x0, s20;
	[sflag:s22] =	ssyncset.done $0x0  }
0xa0: {  	[sflag:s22] =	ssyncadd.s32 s4;
	_ =	sdelay $0x1  }
0xa1: {  	s23 =	simm.s32 $0x1B8B  }
0xa2: {  	_ =	swait.ge [sflag:s23], $0x1  }
0xa3: {  	[sflag:s23] =	ssyncset.done $0x0  }
0xa4: {  	s25 =	simm.s32 $0x1B8E;
	s24 =	sld [smem:$0x3FFE];
	[sflag:s23] =	ssyncadd.s32 $0xFFFFFFFF  }
0xa5: {  	s26 =	simm.s32 $execute0_lowered;
	[smem:$0x3FD2] =	sst s25  }
0xa6: {  	s5 =	sshll.u32 s26, $0x1;
	_ =	strace $0x8000004C;
	[dreg:$0x1] =	wrdreg $0xFFFFFFFF  }
0xa7: {  	s28 =	simm.s32 $_size_execute0_lowered;
	s3 =	sadd.s32 s3, s5;
	[dreg:$0x0] =	wrdreg $0x0  }
0xa8: {  	s5 =	sshll.u32 s28, $0x1;
	[dreg:$0x2] =	wrdreg s3  }
0xa9: {  	[dreg:$0x3] =	wrdreg s5  }
0xaa: {  	[dreg:$0x4] =	wrdreg $0xC0  }
0xab: {  	_ =	task [dreg:s7], $0x5FFFF  }
0xac: {  	[dreg:$0x1] =	wrdreg $0xFFFFFFFF  }
0xad: {  	[dreg:$0x0] =	wrdreg $0x60  }
0xae: {  	[dreg:$0x2] =	wrdreg s2  }
0xaf: {  	[dreg:$0x3] =	wrdreg s24  }
0xb0: {  	[dreg:$0x4] =	wrdreg $0x0  }
0xb1: {  	[dreg:$0x5] =	wrdreg $0x9  }
0xb2: {  	_ =	task.clear_ibuf [dreg:s7], $0x6FFFF;
	_ =	strace $0x9000004C  }
0xb3: {  	s29 =	simm.s32 $0x9;
	_ =	strace $0x8000004E  }
0xb4: {  	_ =	swait.ge [sflag:s29], $0x1  }
0xb5: {  	[sflag:s29] =	ssyncadd.s32 $0xFFFFFFFF  }
0xb6: {  	_ =	strace $0x9000004E  }
0xb7: {  	_ =	sfence  }
0xb8: {  	s30 =	sld [smem:$0x0];
	_ =	sdelay $0x2  }
0xb9: {  	s31 =	sshll.u32 s1, $0xD;
	s1 =	sshrl.u32 s1, $0x2  }
0xba: {  	s3 =	sand.u32 $0x4000, s31;
	s1 =	sadd.s32 s1, s30  }
0xbb: {  	s0 =	sor.u32 s3, s0;
	s1 =	sshll.u32 s1, $0x11  }
0xbc: {  	s0 =	sor.u32 s1, s0  }
0xbd: {  	s0 =	sadd.s32 $0x8F2B, s0  }
0xbe: {  	[sflag:s0] =	ssyncadd.remote.s32 $0x1  }
0xbf: {  	_ =	sfence.sel $0xFFFF  }
0xc0: {  	[dreg:$0x0] =	wrdreg $0xFFFFFFFF;
	(pc) =	sbr.abs _section_cstart, $3  }
0xc1: {  	[dreg:$0x1] =	wrdreg $0xFFFFFFFF  }
0xc2: {  	_ =	task.clear_ibuf [dreg:s7], $0x2FFFF;
	_ =	strace $0x9FFFFFFF  }
0xc3: {  	(tm) =	ssettm $0x7FFFFFFF  }
tec
execute0_lowered:
.L_overlay_start_1:
0x0: {  	(tag) =	ssettag $0x1  }
0x1: {  	s1 =	rddreg [dreg:$0x0]  }
0x2: {  	s0 =	rddreg [dreg:$0x1]  }
0x3: {  	s2 =	rddreg [dreg:$0x2]  }
0x4: {  	s3 =	srdreg.scid;
	s4 =	simm.s32 $0x0;
	s12 =	stileid.u32  }
0x5: {  	s28 =	simm.s32 $0x5;
	s29 =	simm.s32 $0x2800;
	s6 =	smul.u32 $0xA000, s12  }
0x6: {  	s30 =	simm.s32 $0x2900;
	s31 =	simm.s32 $0x1;
	s10 =	smul.u32 $0x2800, s12  }
0x7: {  	s3 =	sand.u32 $0x1, s3;
	[smem:$0x7FF] =	sst s4;
	s22 =	smul.u32 $0x5200, s12  }
0x8: {  	s5 =	sshll.u32 s3, $0x4;
	_ =	strace $0x8000004D;
	s26 =	smul.u32 $0x28000, s3  }
0x9: {  	s7 =	ssub.s32 $0x2, s3;
	s3 =	smul.u32 $0x52000, s3;
	s5 =	sor.u32 s12, s5  }
0xa: {  	s9 =	sshrl.u32 s7, $0x1;
	s6 =	sshrl.u32 s6, $0x2;
	s11 =	sadd.s32 s10, s2  }
0xb: {  	s17 =	sadd.s32 $0x800, s10;
	s21 =	sadd.s32 $0x1000, s10;
	s23 =	sadd.s32 $0x1800, s10  }
0xc: {  	s12 =	simm.s32 $0x2980;
	s8 =	smul.u32 $0x5200, s5;
	s5 =	sadd.s32 $0x2800, s0  }
0xd: {  	s0 =	sadd.s32 $0x67000, s0;
	s7 =	ssub.s32 s7, s9;
	s6 =	sadd.s32 s6, s2  }
0xe: {  	[dreg:$0x6] =	wrdreg s11;
	s16 =	sadd.s32 s26, s10;
	s18 =	sadd.s32 s26, s17  }
0xf: {  	s19 =	sadd.s32 s17, s2;
	s10 =	sadd.s32 $0x2000, s10;
	s3 =	sadd.s32 s22, s3  }
0x10: {  	s24 =	sadd.s32 s26, s23;
	s22 =	sadd.s32 s23, s2;
	s9 =	simm.s32 $0x3  }
0x11: {  	s7 =	smax.u32 s7, $0x1;
	s13 =	sadd.s32 $0x800, s6;
	[dreg:$0xd] =	wrdreg s19  }
0x12: {  	s14 =	sadd.s32 $0x1000, s6;
	s15 =	sadd.s32 $0x1800, s6;
	[dreg:$0x7] =	wrdreg s7  }
0x13: {  	s11 =	sadd.s32 $0x2000, s6;
	s20 =	sshrl.u32 s18, $0x3;
	[dreg:$0x8] =	wrdreg s13  }
0x14: {  	s18 =	sadd.s32 s21, s2;
	s25 =	sshrl.u32 s24, $0x3;
	[dreg:$0x9] =	wrdreg s14  }
0x15: {  	s23 =	sadd.s32 s10, s2;
	s8 =	sshrl.u32 s8, $0x3;
	[dreg:$0xa] =	wrdreg s15  }
0x16: {  	[dreg:$0xb] =	wrdreg s11;
	s7 =	sshrl.u32 s16, $0x3;
	s17 =	sadd.s32 s0, s20  }
0x17: {  	s20 =	sadd.s32 s0, s25;
	s25 =	sadd.s32 $0x200, s3;
	s8 =	sadd.s32 s5, s8  }
0x18: {  	s11 =	simm.s32 $0x4;
	s7 =	sadd.s32 s0, s7;
	[dreg:$0x4] =	wrdreg s8  }
0x19: {  	s8 =	sadd.s32 $0x20, s8;
	[dreg:$0xc] =	wrdreg s7;
	s7 =	sadd.s32 s26, s21  }
0x1a: {  	s13 =	simm.s32 $0x0;
	[dreg:$0x5] =	wrdreg s8;
	s7 =	sshrl.u32 s7, $0x3  }
0x1b: {  	s8 =	sadd.s32 s26, s10;
	s26 =	sadd.s32 $0x300, s3;
	s3 =	simm.s32 $0x2  }
0x1c: {  	s10 =	simm.s32 $0x2880;
	s19 =	sadd.s32 s0, s7;
	s8 =	sshrl.u32 s8, $0x3  }
0x1d: {  	s21 =	sadd.s32 s0, s8;
	s0 =	sshrl.u32 s26, $0x3;
	s26 =	simm.s32 $0x2A00  }
0x1e: {  	v0 =	vimm.f32 $0.0e+00;
	s8 =	simm.s32 $0x3200;
	s24 =	sadd.s32 s0, s5;
	s0 =	simm.s32 $0x80  }
.LBB2_1:
0x1f: {  	s7 =	simm.s32 $0x40;
	s14 =	simm.s32 $0x0  }
.LBB2_2:
0x20: {  	p0 =	sne.s32 s7, $0x1FC0;
	[tilespmem:s14+$0x2A00] =	vst v0;
	s14 =	smov.u32 s7;
	s7 =	sadd.s32 $0x40, s7  }
.Ltmp0:
0x21: {  	(pc) =	sbr.rel @p0 .LBB2_2-.Ltmp0, $2  }
0x22: {  	_ =	sdelay $0x2  }
0x23: {  	s14 =	sshra.s32 s14, $0x2  }
0x24: {  	[tilespmem:s14+$0x2A00] =	vst v0  }
0x25: {  	[spmem:s6] =	stream.linear.scatter [tilespmem:s26], [sflag:$0x5], $0x800, $0x38;
	[tilespmem:$0x3A00] =	vst v63  }
0x26: {  	_ =	swait.ge [sflag:s28], $0x800  }
0x27: {  	[sflag:s28] =	ssyncset.done $0x0  }
0x28: {  	s7 =	rddreg [dreg:$0x8];
	[sflag:s28] =	ssyncadd.s32 $0xFFFFF800  }
0x29: {  	[spmem:s7] =	stream.linear.scatter [tilespmem:s26], [sflag:$0x5], $0x800, $0x38;
	[tilespmem:$0x3A00] =	vst v63  }
0x2a: {  	_ =	swait.ge [sflag:s28], $0x800  }
0x2b: {  	[sflag:s28] =	ssyncset.done $0x0  }
0x2c: {  	s16 =	rddreg [dreg:$0x9];
	[sflag:s28] =	ssyncadd.s32 $0xFFFFF800  }
0x2d: {  	[spmem:s16] =	stream.linear.scatter [tilespmem:s26], [sflag:$0x5], $0x800, $0x38;
	[tilespmem:$0x3A00] =	vst v63  }
0x2e: {  	_ =	swait.ge [sflag:s28], $0x800  }
0x2f: {  	[sflag:s28] =	ssyncset.done $0x0  }
0x30: {  	s14 =	rddreg [dreg:$0xa];
	[sflag:s28] =	ssyncadd.s32 $0xFFFFF800  }
0x31: {  	[spmem:s14] =	stream.linear.scatter [tilespmem:s26], [sflag:$0x5], $0x800, $0x38;
	[tilespmem:$0x3A00] =	vst v63  }
0x32: {  	_ =	swait.ge [sflag:s28], $0x800  }
0x33: {  	[sflag:s28] =	ssyncset.done $0x0  }
0x34: {  	s15 =	rddreg [dreg:$0xb];
	[sflag:s28] =	ssyncadd.s32 $0xFFFFF800  }
0x35: {  	[spmem:s15] =	stream.linear.scatter [tilespmem:s26], [sflag:$0x5], $0x800, $0x38;
	[tilespmem:$0x3A00] =	vst v63  }
0x36: {  	_ =	swait.ge [sflag:s28], $0x800  }
0x37: {  	[sflag:s28] =	ssyncset.done $0x0  }
0x38: {  	[sflag:s28] =	ssyncadd.s32 $0xFFFFF800  }
0x39: {  	[bflag:$0x0] =	sbarrier.arrive $0xFFFF  }
0x3a: {  	s7 =	simm.s32 $0x0;
	s16 =	rddreg [dreg:$0x4]  }
0x3b: {  	[tilespmem:s29], [sflag:$0x1] =	stream.linear.gather [hbm4b:s16+s7], $0x100, $0x38;
	[tilespmem:$0x3A00] =	vst v63  }
0x3c: {  	s15 =	rddreg [dreg:$0x5]  }
0x3d: {  	[tilespmem:s30], [sflag:$0x2] =	stream.linear.gather [hbm4b:s15+s7], $0x100, $0x38;
	[tilespmem:$0x3A00] =	vst v63  }
0x3e: {  	_ =	swait.ge [sflag:s31], $0x100  }
0x3f: {  	[sflag:s31] =	ssyncset.done $0x0  }
0x40: {  	[sflag:s31] =	ssyncadd.s32 $0xFFFFFF00  }
0x41: {  	[tilespmem:s26], [sflag:$0x3] =	stream.indirect.gather [hbm4b:s1+s0], $0x10, s29, s0, $0xb8;
	[tilespmem:$0x3A00] =	vst v63  }
0x42: {  	_ =	swait.ge [sflag:s3], $0x100  }
0x43: {  	[sflag:s3] =	ssyncset.done $0x0  }
0x44: {  	[sflag:s3] =	ssyncadd.s32 $0xFFFFFF00  }
0x45: {  	[tilespmem:s8], [sflag:$0x4] =	stream.indirect.gather [hbm4b:s1+s0], $0x10, s30, s0, $0xb8;
	[tilespmem:$0x3A00] =	vst v63  }
0x46: {  	_ =	swait.ge [sflag:s9], $0x800  }
0x47: {  	[sflag:s9] =	ssyncset.done $0x0  }
0x48: {  	[sflag:s9] =	ssyncadd.s32 $0xFFFFF800  }
0x49: {  	[spmem:s2] =	stream.indirect.scatter.add.f32 [tilespmem:s26], [sflag:$0x5], $0x10, s10, s0, $0xb8;
	[tilespmem:$0x3A00] =	vst v63  }
0x4a: {  	_ =	swait.ge [sflag:s28], $0x800  }
0x4b: {  	s16 =	sshrl.u32 s25, $0x3;
	[sflag:s28] =	ssyncset.done $0x0  }
0x4c: {  	s7 =	sadd.s32 s5, s16;
	[sflag:s28] =	ssyncadd.s32 $0xFFFFF800  }
0x4d: {  	[tilespmem:s29], [sflag:$0x1] =	stream.linear.gather [hbm4b:s7+s4], $0x100, $0x38;
	[tilespmem:$0x3A00] =	vst v63  }
0x4e: {  	_ =	swait.ge [sflag:s31], $0x100  }
0x4f: {  	[sflag:s31] =	ssyncset.done $0x0  }
0x50: {  	[sflag:s31] =	ssyncadd.s32 $0xFFFFFF00  }
0x51: {  	[tilespmem:s26], [sflag:$0x3] =	stream.indirect.gather [hbm4b:s1+s0], $0x10, s29, s0, $0xb8;
	[tilespmem:$0x3A00] =	vst v63  }
0x52: {  	_ =	swait.ge [sflag:s11], $0x800  }
0x53: {  	[sflag:s11] =	ssyncset.done $0x0  }
0x54: {  	[sflag:s11] =	ssyncadd.s32 $0xFFFFF800  }
0x55: {  	[spmem:s2] =	stream.indirect.scatter.add.f32 [tilespmem:s8], [sflag:$0x5], $0x10, s12, s0, $0xb8;
	[tilespmem:$0x3A00] =	vst v63  }
0x56: {  	_ =	swait.ge [sflag:s28], $0x800  }
0x57: {  	s14 =	sadd.s32 $0x200, s25;
	[sflag:s28] =	ssyncset.done $0x0  }
0x58: {  	s15 =	sadd.s32 $0x0, s24;
	s7 =	simm.s32 $0x40;
	[sflag:s28] =	ssyncadd.s32 $0xFFFFF800  }
.LBB2_4:
0x59: {  	[tilespmem:s30], [sflag:$0x2] =	stream.linear.gather [hbm4b:s15+s4], $0x100, $0x38;
	[tilespmem:$0x3A00] =	vst v63  }
0x5a: {  	s15 =	smov.u32 s7  }
0x5b: {  	p0 =	sne.s32 s7, $0x9C0;
	s7 =	sadd.s32 $0x40, s7;
	_ =	swait.ge [sflag:s3], $0x100  }
0x5c: {  	[sflag:s3] =	ssyncset.done $0x0  }
0x5d: {  	[sflag:s3] =	ssyncadd.s32 $0xFFFFFF00  }
0x5e: {  	[tilespmem:s8], [sflag:$0x4] =	stream.indirect.gather [hbm4b:s1+s0], $0x10, s30, s0, $0xb8;
	[tilespmem:$0x3A00] =	vst v63  }
0x5f: {  	_ =	swait.ge [sflag:s9], $0x800  }
0x60: {  	[sflag:s9] =	ssyncset.done $0x0  }
0x61: {  	[sflag:s9] =	ssyncadd.s32 $0xFFFFF800  }
0x62: {  	[spmem:s2] =	stream.indirect.scatter.add.f32 [tilespmem:s26], [sflag:$0x5], $0x10, s10, s0, $0xb8;
	[tilespmem:$0x3A00] =	vst v63  }
0x63: {  	_ =	swait.ge [sflag:s28], $0x800  }
0x64: {  	s16 =	sshrl.u32 s14, $0x3;
	[sflag:s28] =	ssyncset.done $0x0  }
0x65: {  	s16 =	sadd.s32 s5, s16;
	[sflag:s28] =	ssyncadd.s32 $0xFFFFF800  }
0x66: {  	[tilespmem:s29], [sflag:$0x1] =	stream.linear.gather [hbm4b:s16+s4], $0x100, $0x38;
	[tilespmem:$0x3A00] =	vst v63  }
0x67: {  	_ =	swait.ge [sflag:s31], $0x100  }
0x68: {  	[sflag:s31] =	ssyncset.done $0x0  }
0x69: {  	[sflag:s31] =	ssyncadd.s32 $0xFFFFFF00  }
0x6a: {  	[tilespmem:s26], [sflag:$0x3] =	stream.indirect.gather [hbm4b:s1+s0], $0x10, s29, s0, $0xb8;
	[tilespmem:$0x3A00] =	vst v63  }
0x6b: {  	_ =	swait.ge [sflag:s11], $0x800  }
0x6c: {  	[sflag:s11] =	ssyncset.done $0x0  }
.Ltmp1:
0x6d: {  	[sflag:s11] =	ssyncadd.s32 $0xFFFFF800;
	(pc) =	sbr.rel @p0 .LBB2_4-.Ltmp1, $4  }
0x6e: {  	[spmem:s2] =	stream.indirect.scatter.add.f32 [tilespmem:s8], [sflag:$0x5], $0x10, s12, s0, $0xb8;
	[tilespmem:$0x3A00] =	vst v63  }
0x6f: {  	_ =	swait.ge [sflag:s28], $0x800  }
0x70: {  	[sflag:s28] =	ssyncset.done $0x0  }
0x71: {  	s14 =	sadd.s32 $0x200, s14;
	s15 =	sadd.s32 s15, s24;
	[sflag:s28] =	ssyncadd.s32 $0xFFFFF800  }
0x72: {  	[tilespmem:s30], [sflag:$0x2] =	stream.linear.gather [hbm4b:s15+s4], $0x100, $0x38;
	[tilespmem:$0x3A00] =	vst v63  }
0x73: {  	_ =	swait.ge [sflag:s9], $0x800  }
0x74: {  	[sflag:s9] =	ssyncset.done $0x0  }
0x75: {  	[sflag:s9] =	ssyncadd.s32 $0xFFFFF800  }
0x76: {  	_ =	swait.ge [sflag:s3], $0x100  }
0x77: {  	[sflag:s3] =	ssyncset.done $0x0  }
0x78: {  	[sflag:s3] =	ssyncadd.s32 $0xFFFFFF00  }
0x79: {  	[bflag:$0x0] =	sbarrier.arrive $0xFFFF  }
0x7a: {  	s7 =	rddreg [dreg:$0x6]  }
0x7b: {  	[tilespmem:s26], [sflag:$0x5] =	stream.linear.gather [spmem:s7], $0x800, $0x38;
	[tilespmem:$0x3A00] =	vst v63  }
0x7c: {  	_ =	swait.ge [sflag:s28], $0x800  }
0x7d: {  	[sflag:s28] =	ssyncset.done $0x0  }
0x7e: {  	s14 =	rddreg [dreg:$0xc];
	[sflag:s28] =	ssyncadd.s32 $0xFFFFF800  }
0x7f: {  	[hbm4b:s14+s4] =	stream.linear.scatter [tilespmem:s26], [sflag:$0x5], $0x800, $0x38;
	[tilespmem:$0x3A00] =	vst v63  }
0x80: {  	_ =	swait.ge [sflag:s28], $0x800  }
0x81: {  	[sflag:s28] =	ssyncset.done $0x0  }
0x82: {  	s15 =	rddreg [dreg:$0xd];
	[sflag:s28] =	ssyncadd.s32 $0xFFFFF800  }
0x83: {  	[tilespmem:s26], [sflag:$0x5] =	stream.linear.gather [spmem:s15], $0x800, $0x38;
	[tilespmem:$0x3A00] =	vst v63  }
0x84: {  	_ =	swait.ge [sflag:s28], $0x800  }
0x85: {  	[sflag:s28] =	ssyncset.done $0x0  }
0x86: {  	[sflag:s28] =	ssyncadd.s32 $0xFFFFF800  }
0x87: {  	[hbm4b:s17+s4] =	stream.linear.scatter [tilespmem:s26], [sflag:$0x5], $0x800, $0x38;
	[tilespmem:$0x3A00] =	vst v63  }
0x88: {  	_ =	swait.ge [sflag:s28], $0x800  }
0x89: {  	[sflag:s28] =	ssyncset.done $0x0  }
0x8a: {  	[sflag:s28] =	ssyncadd.s32 $0xFFFFF800  }
0x8b: {  	[tilespmem:s26], [sflag:$0x5] =	stream.linear.gather [spmem:s18], $0x800, $0x38;
	[tilespmem:$0x3A00] =	vst v63  }
0x8c: {  	_ =	swait.ge [sflag:s28], $0x800  }
0x8d: {  	[sflag:s28] =	ssyncset.done $0x0  }
0x8e: {  	[sflag:s28] =	ssyncadd.s32 $0xFFFFF800  }
0x8f: {  	[hbm4b:s19+s4] =	stream.linear.scatter [tilespmem:s26], [sflag:$0x5], $0x800, $0x38;
	[tilespmem:$0x3A00] =	vst v63  }
0x90: {  	_ =	swait.ge [sflag:s28], $0x800  }
0x91: {  	[sflag:s28] =	ssyncset.done $0x0  }
0x92: {  	[sflag:s28] =	ssyncadd.s32 $0xFFFFF800  }
0x93: {  	[tilespmem:s26], [sflag:$0x5] =	stream.linear.gather [spmem:s22], $0x800, $0x38;
	[tilespmem:$0x3A00] =	vst v63  }
0x94: {  	_ =	swait.ge [sflag:s28], $0x800  }
0x95: {  	[sflag:s28] =	ssyncset.done $0x0  }
0x96: {  	[sflag:s28] =	ssyncadd.s32 $0xFFFFF800  }
0x97: {  	[hbm4b:s20+s4] =	stream.linear.scatter [tilespmem:s26], [sflag:$0x5], $0x800, $0x38;
	[tilespmem:$0x3A00] =	vst v63  }
0x98: {  	_ =	swait.ge [sflag:s28], $0x800  }
0x99: {  	[sflag:s28] =	ssyncset.done $0x0  }
0x9a: {  	[sflag:s28] =	ssyncadd.s32 $0xFFFFF800  }
0x9b: {  	[tilespmem:s26], [sflag:$0x5] =	stream.linear.gather [spmem:s23], $0x800, $0x38;
	[tilespmem:$0x3A00] =	vst v63  }
0x9c: {  	_ =	swait.ge [sflag:s28], $0x800  }
0x9d: {  	[sflag:s28] =	ssyncset.done $0x0  }
0x9e: {  	[sflag:s28] =	ssyncadd.s32 $0xFFFFF800  }
0x9f: {  	[hbm4b:s21+s4] =	stream.linear.scatter [tilespmem:s26], [sflag:$0x5], $0x800, $0x38;
	[tilespmem:$0x3A00] =	vst v63  }
0xa0: {  	_ =	swait.ge [sflag:s28], $0x800  }
0xa1: {  	s13 =	sadd.s32 $0x1, s13;
	s16 =	rddreg [dreg:$0x7]  }
0xa2: {  	p0 =	sne.s32 s13, s16  }
.Ltmp2:
0xa3: {  	_ = 	snop;
	(pc) =	sbr.rel @p0 .LBB2_1-.Ltmp2, $3  }
0xa4: {  	_ =	sdelay $0x1  }
0xa5: {  	[sflag:s28] =	ssyncset.done $0x0  }
0xa6: {  	[sflag:s28] =	ssyncadd.s32 $0xFFFFF800  }
0xa7: {  	_ =	sfence.sel $0x180000  }
0xa8: {  	[bflag:$0x0] =	sbarrier.arrive $0xFFFF  }
0xa9: {  	_ =	strace $0x9000004D  }
0xaa: {  	s0 =	stileid.u32;
	[bflag:$0x2] =	sbarrier.arrive $0xFFFF  }
0xab: {  	p0 =	sne.s32 s0, $0x0;
	s0 =	rddreg [dreg:$0x3]  }
0xac: {  	s0 =	sadd.s32 @!p0 $0x100000, s0  }
0xad: {  	[sflag:s0] =	ssyncadd.tile.s32 @!p0 $0x1;
	_ =	shalt  }
.Lfunc_end2:
_tile_overlayer_lowered:
.L_overlay_start_2:
0xae: {  	(tag) =	ssettag $0x2  }
0xaf: {  	s0 =	rddreg [dreg:$0x0];
	s2 =	stileid.u32  }
0xb0: {  	s1 =	rddreg [dreg:$0x1];
	p0 =	sne.s32 s2, $0x0  }
0xb1: {  	s3 =	rddreg [dreg:$0x2];
	[bflag:$0x3] =	sbarrier.arrive $0xFFFF;
	s2 =	simm.s32 @!p0 $0x1C05  }
0xb2: {  	[timem:s3], [sflag:s2] =	dma.local @!p0 [hbm:s0], s1  }
0xb3: {  	s0 =	simm.s32 @!p0 $0x5  }
0xb4: {  	_ =	swait.ge @!p0 [sflag:s0], s1  }
0xb5: {  	s1 =	ssub.s32 @!p0 $0x0, s1;
	[sflag:s0] =	ssyncset.done @!p0 $0x0  }
0xb6: {  	[sflag:s0] =	ssyncadd.s32 @!p0 s1  }
0xb7: {  	[bflag:$0x3] =	sbarrier.arrive $0xFFFF  }
0xb8: {  	_ =	shalt  }

// kernel: kernel.8.cloned.1.call-start
scs
__scs_entry_jumppad:
0x0: {  	(pc) =	sbr.rel $0x88, $3  }
0x1: {  	(tag) =	ssettag $0x0;
	lr =	simm.s32 $0x1  }
0x2: {  	[smem:$0x3F9B] =	sst lr;
	_ =	strace $0xD0000000  }
0x3: {  	_ = 	snop  }
0x4: {  	_ = 	snop  }
0x5: {  	_ = 	snop  }
0x6: {  	_ = 	snop  }
0x7: {  	_ = 	snop  }
__scs_overlays_trampoline_lowered:
0x8: {  	[smem:$0x3FAA] =	sst s0  }
0x9: {  	[smem:$0x3FAB] =	sst s1  }
0xa: {  	[smem:$0x3FAC] =	sst s2  }
0xb: {  	[smem:$0x3FAD] =	sst s3  }
0xc: {  	[smem:$0x3FAE] =	sst s4  }
0xd: {  	[smem:$0x3FAF] =	sst s5  }
0xe: {  	[smem:$0x3FB0] =	sst s6  }
0xf: {  	[smem:$0x3FB1] =	sst s7  }
0x10: {  	[smem:$0x3FB2] =	sst s8  }
0x11: {  	[smem:$0x3FB3] =	sst s9;
	s0 =	simm.s32 @!p0 $0x0  }
0x12: {  	s1 =	sld [smem:$0x3F99];
	s0 =	simm.s32 @p0 $0x1  }
0x13: {  	[smem:$0x3FB4] =	sst s0;
	s0 =	simm.s32 @!p1 $0x0  }
0x14: {  	s2 =	sld [smem:$0x3F98];
	s0 =	simm.s32 @p1 $0x1  }
0x15: {  	[smem:$0x3FB5] =	sst s0;
	s0 =	simm.s32 @!p2 $0x0  }
0x16: {  	s3 =	sld [smem:$0x3FDB];
	s0 =	simm.s32 @p2 $0x1  }
0x17: {  	s4 =	simm.s32 $0x1BF5;
	[smem:$0x3FB7] =	sst s0  }
0x18: {  	s0 =	sld [smem:$0x3F9A];
	_ =	swait.ge [sflag:s4], $0x0  }
0x19: {  	s7 =	sld [smem:$0x3F9B]  }
0x1a: {  	s8 =	sadd.s32 $0xFFFFE003, lr  }
0x1b: {  	s9 =	sadd.s32 $0xFFFFFEF7, lr;
	s5 =	simm.s32 $0xFFFFFFFF;
	p2 =	slt.u32 s8, $0xFFFFF086  }
0x1c: {  	p1 =	slt.u32 s9, $0xF7A;
	s5 =	simm.s32 @!p2 $0x0  }
0x1d: {  	s5 =	simm.s32 @p1 $0x1;
	p0 =	seq.s32 s7, s2  }
0x1e: {  	s7 =	smul.u32 @!p0 $0xF7A, s2;
	p2 =	seq.s32 @!p0 s5, $0x0  }
0x1f: {  	s9 =	smul.u32 $0xF7A, s1;
	s8 =	simm.s32 @!p0 $0x1BF5;
	p2 =	por !p2, p0  }
0x20: {  	[sflag:s8] =	ssyncset.s32 @!p0 $0xFFFFF086;
	s6 =	sadd.s32 @!p0 s3, s7;
	s7 =	simm.s32 @!p0 $0x108  }
0x21: {  	s3 =	sadd.s32 s3, s9;
	s6 =	sadd.s32 @!p0 $0x88, s6;
	s7 =	simm.s32 @p2 $0x1082  }
0x22: {  	[simem:s7], [sflag:s8] =	dma.local @!p0 [hbm:s6], $0xF7A  }
0x23: {  	s9 =	sor.u32 $0xD0000000, s2;
	s6 =	simm.s32 $0x108;
	_ =	swait.ge @!p0 [sflag:s8], $0x0  }
0x24: {  	s3 =	sadd.s32 $0x88, s3;
	s6 =	simm.s32 @!p1 $0x1082;
	[sflag:s4] =	ssyncset.s32 $0xFFFFF086  }
0x25: {  	[simem:s6], [sflag:s4] =	dma.local [hbm:s3], $0xF7A  }
0x26: {  	[smem:$0x3F9B] =	sst s1;
	(tag) =	ssettag s2;
	_ =	strace s9  }
0x27: {  	s1 =	sld [smem:$0x3FAB]  }
0x28: {  	s2 =	sld [smem:$0x3FAC]  }
0x29: {  	s4 =	sld [smem:$0x3FAE]  }
0x2a: {  	p0 =	seq.s32 s5, $0x0;
	s5 =	sld [smem:$0x3FAF]  }
0x2b: {  	s6 =	sld [smem:$0x3FB0]  }
0x2c: {  	s7 =	sld [smem:$0x3FB1]  }
0x2d: {  	s3 =	simm.s32 $0x108;
	s8 =	sld [smem:$0x3FB2]  }
0x2e: {  	s3 =	simm.s32 @!p0 $0x1082;
	s9 =	sld [smem:$0x3FB3]  }
0x2f: {  	lr =	sadd.s32 s0, s3;
	s0 =	sld [smem:$0x3FAA]  }
0x30: {  	s3 =	sld [smem:$0x3FAD]  }
0x31: {  	[smem:$0x3FB6] =	sst s10  }
0x32: {  	s10 =	sld [smem:$0x3FB4];
	_ =	sdelay $0x3  }
0x33: {  	p0 =	seq.s32 s10, $0x1;
	s10 =	sld [smem:$0x3FB6];
	_ =	sdelay $0x3  }
0x34: {  	[smem:$0x3FB6] =	sst s10  }
0x35: {  	s10 =	sld [smem:$0x3FB5];
	_ =	sdelay $0x3  }
0x36: {  	p1 =	seq.s32 s10, $0x1;
	s10 =	sld [smem:$0x3FB6];
	_ =	sdelay $0x3  }
0x37: {  	[smem:$0x3FB6] =	sst s10  }
0x38: {  	s10 =	sld [smem:$0x3FB7]  }
0x39: {  	_ = 	snop;
	(pc) =	sbr.ind lr, $3  }
0x3a: {  	_ = 	snop  }
0x3b: {  	_ = 	snop  }
0x3c: {  	p2 =	seq.s32 s10, $0x1;
	s10 =	sld [smem:$0x3FB6]  }
0x3d: {  	_ =	shalt  }
0x3e: {  	_ =	shalt  }
0x3f: {  	_ =	shalt  }
0x40: {  	_ =	shalt  }
0x41: {  	_ =	shalt  }
0x42: {  	_ =	shalt  }
0x43: {  	_ =	shalt  }
0x44: {  	_ =	shalt  }
0x45: {  	_ =	shalt  }
0x46: {  	_ =	shalt  }
0x47: {  	_ =	shalt  }
0x48: {  	_ =	shalt  }
0x49: {  	_ =	shalt  }
0x4a: {  	_ =	shalt  }
0x4b: {  	_ =	shalt  }
0x4c: {  	_ =	shalt  }
0x4d: {  	_ =	shalt  }
0x4e: {  	_ =	shalt  }
0x4f: {  	_ =	shalt  }
0x50: {  	_ =	shalt  }
0x51: {  	_ =	shalt  }
0x52: {  	_ =	shalt  }
0x53: {  	_ =	shalt  }
0x54: {  	_ =	shalt  }
0x55: {  	_ =	shalt  }
0x56: {  	_ =	shalt  }
0x57: {  	_ =	shalt  }
0x58: {  	_ =	shalt  }
0x59: {  	_ =	shalt  }
0x5a: {  	_ =	shalt  }
0x5b: {  	_ =	shalt  }
0x5c: {  	_ =	shalt  }
0x5d: {  	_ =	shalt  }
0x5e: {  	_ =	shalt  }
0x5f: {  	_ =	shalt  }
0x60: {  	_ =	shalt  }
0x61: {  	_ =	shalt  }
0x62: {  	_ =	shalt  }
0x63: {  	_ =	shalt  }
0x64: {  	_ =	shalt  }
0x65: {  	_ =	shalt  }
0x66: {  	_ =	shalt  }
0x67: {  	_ =	shalt  }
0x68: {  	_ =	shalt  }
0x69: {  	_ =	shalt  }
0x6a: {  	_ =	shalt  }
0x6b: {  	_ =	shalt  }
0x6c: {  	_ =	shalt  }
0x6d: {  	_ =	shalt  }
0x6e: {  	_ =	shalt  }
0x6f: {  	_ =	shalt  }
0x70: {  	_ =	shalt  }
0x71: {  	_ =	shalt  }
0x72: {  	_ =	shalt  }
0x73: {  	_ =	shalt  }
0x74: {  	_ =	shalt  }
0x75: {  	_ =	shalt  }
0x76: {  	_ =	shalt  }
0x77: {  	_ =	shalt  }
0x78: {  	_ =	shalt  }
0x79: {  	_ =	shalt  }
0x7a: {  	_ =	shalt  }
0x7b: {  	_ =	shalt  }
0x7c: {  	_ =	shalt  }
0x7d: {  	_ =	shalt  }
0x7e: {  	_ =	shalt  }
0x7f: {  	_ =	shalt  }
0x80: {  	_ =	shalt  }
0x81: {  	_ =	shalt  }
0x82: {  	_ =	shalt  }
0x83: {  	_ =	shalt  }
0x84: {  	_ =	shalt  }
0x85: {  	_ =	shalt  }
0x86: {  	_ =	shalt  }
0x87: {  	_ =	shalt  }
.Lfunc_end0:
.L_simem_size_0:
called_computation_lowered:
.L_overlay_start_0:
0x88: {  	s2 =	sld [smem:$0x3FD9]  }
0x89: {  	s3 =	sld [smem:$0x3FFE];
	_ =	sdelay $0x1  }
0x8a: {  	s1 =	srdreg.scid  }
0x8b: {  	s0 =	sand.u32 $0x1, s1  }
0x8c: {  	s17 =	sshll.u32 s0, $0xA;
	s2 =	sadd.s32 s3, s2  }
0x8d: {  	s2 =	sadd.s32 s2, s17  }
0x8e: {  	[smem:$0x3FC2] =	sst s2  }
0x8f: {  	_ = 	snop  }
0x90: {  	s2 =	sld [smem:$0x3FD0];
	(tm) =	ssettm $0x1  }
0x91: {  	s18 =	sld [smem:$0x3FFB];
	_ =	sdelay $0x3  }
0x92: {  	_ =	strace s18  }
0x93: {  	s3 =	sld [smem:$0x3FFC];
	_ =	sdelay $0x3  }
0x94: {  	_ =	strace s3  }
0x95: {  	s3 =	sld [smem:$0x3FFD];
	_ =	sdelay $0x3  }
0x96: {  	_ =	strace s3  }
0x97: {  	_ =	strace $0x8FFFFFFF  }
0x98: {  	s19 =	sld [smem:$0x3FDB];
	_ =	sdelay $0x1  }
0x99: {  	s4 =	simm.s32 $_scs_section_size  }
0x9a: {  	s5 =	simm.s32 $_size__tile_overlayer_lowered;
	s6 =	simm.s32 $_tile_overlayer_lowered  }
0x9b: {  	s22 =	simm.s32 $0x1BFF;
	s21 =	sshll.u32 s6, $0x1;
	s3 =	sadd.s32 s4, s19  }
0x9c: {  	s7 =	simm.s32 $0x0;
	s20 =	sshll.u32 s5, $0x1;
	s5 =	sadd.s32 s21, s3  }
0x9d: {  	[timem:s7], [sflag:s22] =	dma.local [hbm:s5], s20  }
0x9e: {  	_ =	swait.ge [sflag:s22], s20  }
0x9f: {  	s4 =	ssub.s32 $0x0, s20;
	[sflag:s22] =	ssyncset.done $0x0  }
0xa0: {  	[sflag:s22] =	ssyncadd.s32 s4;
	_ =	sdelay $0x1  }
0xa1: {  	s23 =	simm.s32 $0x1B8B  }
0xa2: {  	_ =	swait.ge [sflag:s23], $0x1  }
0xa3: {  	[sflag:s23] =	ssyncset.done $0x0  }
0xa4: {  	s25 =	simm.s32 $0x1B8E;
	s24 =	sld [smem:$0x3FFE];
	[sflag:s23] =	ssyncadd.s32 $0xFFFFFFFF  }
0xa5: {  	s26 =	simm.s32 $execute0_lowered;
	[smem:$0x3FD2] =	sst s25  }
0xa6: {  	s5 =	sshll.u32 s26, $0x1;
	_ =	strace $0x80000046;
	[dreg:$0x1] =	wrdreg $0xFFFFFFFF  }
0xa7: {  	s28 =	simm.s32 $_size_execute0_lowered;
	s3 =	sadd.s32 s3, s5;
	[dreg:$0x0] =	wrdreg $0x0  }
0xa8: {  	s5 =	sshll.u32 s28, $0x1;
	[dreg:$0x2] =	wrdreg s3  }
0xa9: {  	[dreg:$0x3] =	wrdreg s5  }
0xaa: {  	[dreg:$0x4] =	wrdreg $0xC0  }
0xab: {  	_ =	task [dreg:s7], $0x5FFFF  }
0xac: {  	[dreg:$0x1] =	wrdreg $0xFFFFFFFF  }
0xad: {  	[dreg:$0x0] =	wrdreg $0x60  }
0xae: {  	[dreg:$0x2] =	wrdreg s24  }
0xaf: {  	[dreg:$0x3] =	wrdreg s2  }
0xb0: {  	[dreg:$0x4] =	wrdreg $0x0  }
0xb1: {  	[dreg:$0x5] =	wrdreg $0x9  }
0xb2: {  	_ =	task.clear_ibuf [dreg:s7], $0x6FFFF;
	_ =	strace $0x90000046  }
0xb3: {  	s29 =	simm.s32 $0x9;
	_ =	strace $0x80000048  }
0xb4: {  	_ =	swait.ge [sflag:s29], $0x1  }
0xb5: {  	[sflag:s29] =	ssyncadd.s32 $0xFFFFFFFF  }
0xb6: {  	_ =	strace $0x90000048  }
0xb7: {  	_ =	sfence  }
0xb8: {  	s30 =	sld [smem:$0x0];
	_ =	sdelay $0x2  }
0xb9: {  	s31 =	sshll.u32 s1, $0xD;
	s1 =	sshrl.u32 s1, $0x2  }
0xba: {  	s3 =	sand.u32 $0x4000, s31;
	s1 =	sadd.s32 s1, s30  }
0xbb: {  	s0 =	sor.u32 s3, s0;
	s1 =	sshll.u32 s1, $0x11  }
0xbc: {  	s0 =	sor.u32 s1, s0  }
0xbd: {  	s0 =	sadd.s32 $0x8F2B, s0  }
0xbe: {  	[sflag:s0] =	ssyncadd.remote.s32 $0x1  }
0xbf: {  	_ =	sfence.sel $0xFFFF  }
0xc0: {  	[dreg:$0x0] =	wrdreg $0xFFFFFFFF;
	(pc) =	sbr.abs _section_cstart, $3  }
0xc1: {  	[dreg:$0x1] =	wrdreg $0xFFFFFFFF  }
0xc2: {  	_ =	task.clear_ibuf [dreg:s7], $0x2FFFF;
	_ =	strace $0x9FFFFFFF  }
0xc3: {  	(tm) =	ssettm $0x7FFFFFFF  }
tec
execute0_lowered:
.L_overlay_start_1:
0x0: {  	(tag) =	ssettag $0x1  }
0x1: {  	s4 =	rddreg [dreg:$0x0]  }
0x2: {  	s0 =	srdreg.scid;
	s8 =	rddreg [dreg:$0x1]  }
0x3: {  	s2 =	rddreg [dreg:$0x2];
	s3 =	simm.s32 $0x0;
	s13 =	simm.s32 $0x3  }
0x4: {  	s14 =	simm.s32 $0x280;
	s15 =	simm.s32 $0x380;
	s16 =	simm.s32 $0x1  }
0x5: {  	s17 =	simm.s32 $0x80;
	s18 =	simm.s32 $0x300;
	s19 =	simm.s32 $0x480  }
0x6: {  	s20 =	simm.s32 $0x2;
	s5 =	sand.u32 $0x1, s0;
	s0 =	stileid.u32  }
0x7: {  	s21 =	simm.s32 $0x400;
	s22 =	simm.s32 $0x0;
	s7 =	smul.u32 $0x280, s0  }
0x8: {  	[smem:$0x7FF] =	sst s3;
	s4 =	sadd.s32 $0x2800, s4;
	s10 =	smul.u32 $0x52000, s5  }
0x9: {  	s1 =	sshll.u32 s5, $0x4;
	s9 =	ssub.s32 $0x2, s5;
	s12 =	smul.u32 $0x5200, s0  }
0xa: {  	s29 =	smul.u32 $0x2800, s5;
	s6 =	sor.u32 s0, s1;
	s1 =	rddreg [dreg:$0x3]  }
0xb: {  	_ =	strace $0x80000047;
	s11 =	sshrl.u32 s9, $0x1;
	s6 =	smul.u32 $0x5200, s6  }
0xc: {  	s9 =	ssub.s32 s9, s11;
	s12 =	sadd.s32 s12, s10;
	s30 =	sadd.s32 s7, s29  }
0xd: {  	s5 =	sadd.s32 s7, s2;
	s31 =	sadd.s32 $0x300, s12;
	s10 =	sshrl.u32 s30, $0x3  }
0xe: {  	s9 =	smax.u32 s9, $0x1;
	s6 =	sshrl.u32 s6, $0x3;
	s11 =	sshrl.u32 s31, $0x3  }
0xf: {  	s8 =	sadd.s32 s8, s10;
	s6 =	sadd.s32 s4, s6;
	s10 =	sadd.s32 s11, s4  }
0x10: {  	v0 =	vimm.f32 $0.0e+00;
	v1 =	vimm.f32 $1.000000000e+00;
	s11 =	sadd.s32 $0x200, s12;
	s12 =	simm.s32 $0x500;
	s7 =	sadd.s32 $0x20, s6  }
.LBB2_1:
0x11: {  	[tilespmem:$0x500] =	vst v0  }
0x12: {  	[tilespmem:$0x510] =	vst v0  }
0x13: {  	[tilespmem:$0x520] =	vst v0  }
0x14: {  	[tilespmem:$0x530] =	vst v0  }
0x15: {  	[tilespmem:$0x540] =	vst v0  }
0x16: {  	[tilespmem:$0x550] =	vst v0  }
0x17: {  	[tilespmem:$0x560] =	vst v0  }
0x18: {  	[tilespmem:$0x570] =	vst v0  }
0x19: {  	[tilespmem:$0x580] =	vst v0  }
0x1a: {  	[tilespmem:$0x590] =	vst v0  }
0x1b: {  	[tilespmem:$0x5A0] =	vst v0  }
0x1c: {  	[tilespmem:$0x5B0] =	vst v0  }
0x1d: {  	[tilespmem:$0x5C0] =	vst v0  }
0x1e: {  	[tilespmem:$0x5D0] =	vst v0  }
0x1f: {  	[tilespmem:$0x5E0] =	vst v0  }
0x20: {  	[tilespmem:$0x5F0] =	vst v0  }
0x21: {  	[tilespmem:$0x600] =	vst v0  }
0x22: {  	[tilespmem:$0x610] =	vst v0  }
0x23: {  	[tilespmem:$0x620] =	vst v0  }
0x24: {  	[tilespmem:$0x630] =	vst v0  }
0x25: {  	[tilespmem:$0x640] =	vst v0  }
0x26: {  	[tilespmem:$0x650] =	vst v0  }
0x27: {  	[tilespmem:$0x660] =	vst v0  }
0x28: {  	[tilespmem:$0x670] =	vst v0  }
0x29: {  	[tilespmem:$0x680] =	vst v0  }
0x2a: {  	[tilespmem:$0x690] =	vst v0  }
0x2b: {  	[tilespmem:$0x6A0] =	vst v0  }
0x2c: {  	[tilespmem:$0x6B0] =	vst v0  }
0x2d: {  	[tilespmem:$0x6C0] =	vst v0  }
0x2e: {  	[tilespmem:$0x6D0] =	vst v0  }
0x2f: {  	[tilespmem:$0x6E0] =	vst v0  }
0x30: {  	[tilespmem:$0x6F0] =	vst v0  }
0x31: {  	[tilespmem:$0x700] =	vst v0  }
0x32: {  	[tilespmem:$0x710] =	vst v0  }
0x33: {  	[tilespmem:$0x720] =	vst v0  }
0x34: {  	[tilespmem:$0x730] =	vst v0  }
0x35: {  	[tilespmem:$0x740] =	vst v0  }
0x36: {  	[tilespmem:$0x750] =	vst v0  }
0x37: {  	[tilespmem:$0x760] =	vst v0  }
0x38: {  	[tilespmem:$0x770] =	vst v0  }
0x39: {  	[tilespmem:$0x480] =	vst v1  }
0x3a: {  	[tilespmem:$0x490] =	vst v1  }
0x3b: {  	[tilespmem:$0x4A0] =	vst v1  }
0x3c: {  	[tilespmem:$0x4B0] =	vst v1  }
0x3d: {  	[tilespmem:$0x4C0] =	vst v1  }
0x3e: {  	[tilespmem:$0x4D0] =	vst v1  }
0x3f: {  	[tilespmem:$0x4E0] =	vst v1  }
0x40: {  	[tilespmem:$0x4F0] =	vst v1  }
0x41: {  	[spmem:s5] =	stream.linear.scatter [tilespmem:s12], [sflag:$0x3], $0x280, $0x38;
	[tilespmem:$0x780] =	vst v63  }
0x42: {  	_ =	swait.ge [sflag:s13], $0x280  }
0x43: {  	[sflag:s13] =	ssyncset.done $0x0  }
0x44: {  	[sflag:s13] =	ssyncadd.s32 $0xFFFFFD80  }
0x45: {  	[bflag:$0x0] =	sbarrier.arrive $0xFFFF  }
0x46: {  	[tilespmem:s14], [sflag:$0x1] =	stream.linear.gather [hbm4b:s6+s3], $0x100, $0x38;
	[tilespmem:$0x780] =	vst v63  }
0x47: {  	_ = 	snop  }
0x48: {  	[tilespmem:s15], [sflag:$0x2] =	stream.linear.gather [hbm4b:s7+s3], $0x100, $0x38;
	[tilespmem:$0x780] =	vst v63  }
0x49: {  	_ =	swait.ge [sflag:s16], $0x100  }
0x4a: {  	[sflag:s16] =	ssyncset.done $0x0  }
0x4b: {  	[sflag:s16] =	ssyncadd.s32 $0xFFFFFF00  }
0x4c: {  	[spmem:s2] =	stream.indirect.scatter.add.f32 [tilespmem:s19], [sflag:$0x3], $0x1, s18, s17, $0xb8;
	[tilespmem:$0x780] =	vst v63  }
0x4d: {  	_ =	swait.ge [sflag:s13], $0x80  }
0x4e: {  	s23 =	sshrl.u32 s11, $0x3;
	[sflag:s13] =	ssyncset.done $0x0  }
0x4f: {  	s23 =	sadd.s32 s4, s23;
	[sflag:s13] =	ssyncadd.s32 $0xFFFFFF80  }
0x50: {  	[tilespmem:s14], [sflag:$0x1] =	stream.linear.gather [hbm4b:s23+s3], $0x100, $0x38;
	[tilespmem:$0x780] =	vst v63  }
0x51: {  	_ =	swait.ge [sflag:s20], $0x100  }
0x52: {  	[sflag:s20] =	ssyncset.done $0x0  }
0x53: {  	[sflag:s20] =	ssyncadd.s32 $0xFFFFFF00  }
0x54: {  	[spmem:s2] =	stream.indirect.scatter.add.f32 [tilespmem:s19], [sflag:$0x3], $0x1, s21, s17, $0xb8;
	[tilespmem:$0x780] =	vst v63  }
0x55: {  	_ =	swait.ge [sflag:s13], $0x80  }
0x56: {  	s25 =	sadd.s32 $0x0, s10;
	[sflag:s13] =	ssyncset.done $0x0  }
0x57: {  	s24 =	sadd.s32 $0x200, s11;
	s23 =	simm.s32 $0x40;
	[sflag:s13] =	ssyncadd.s32 $0xFFFFFF80  }
.LBB2_2:
0x58: {  	[tilespmem:s15], [sflag:$0x2] =	stream.linear.gather [hbm4b:s25+s3], $0x100, $0x38;
	[tilespmem:$0x780] =	vst v63  }
0x59: {  	s25 =	smov.u32 s23  }
0x5a: {  	p0 =	sne.s32 s23, $0x9C0;
	s23 =	sadd.s32 $0x40, s23;
	_ =	swait.ge [sflag:s16], $0x100  }
0x5b: {  	[sflag:s16] =	ssyncset.done $0x0  }
0x5c: {  	[sflag:s16] =	ssyncadd.s32 $0xFFFFFF00  }
0x5d: {  	[spmem:s2] =	stream.indirect.scatter.add.f32 [tilespmem:s19], [sflag:$0x3], $0x1, s18, s17, $0xb8;
	[tilespmem:$0x780] =	vst v63  }
0x5e: {  	_ =	swait.ge [sflag:s13], $0x80  }
0x5f: {  	s26 =	sshrl.u32 s24, $0x3;
	[sflag:s13] =	ssyncset.done $0x0  }
0x60: {  	s26 =	sadd.s32 s4, s26;
	[sflag:s13] =	ssyncadd.s32 $0xFFFFFF80  }
0x61: {  	[tilespmem:s14], [sflag:$0x1] =	stream.linear.gather [hbm4b:s26+s3], $0x100, $0x38;
	[tilespmem:$0x780] =	vst v63  }
0x62: {  	_ =	swait.ge [sflag:s20], $0x100  }
0x63: {  	[sflag:s20] =	ssyncset.done $0x0  }
.Ltmp0:
0x64: {  	[sflag:s20] =	ssyncadd.s32 $0xFFFFFF00;
	(pc) =	sbr.rel @p0 .LBB2_2-.Ltmp0, $4  }
0x65: {  	[spmem:s2] =	stream.indirect.scatter.add.f32 [tilespmem:s19], [sflag:$0x3], $0x1, s21, s17, $0xb8;
	[tilespmem:$0x780] =	vst v63  }
0x66: {  	_ =	swait.ge [sflag:s13], $0x80  }
0x67: {  	[sflag:s13] =	ssyncset.done $0x0  }
0x68: {  	s24 =	sadd.s32 $0x200, s24;
	s25 =	sadd.s32 s25, s10;
	[sflag:s13] =	ssyncadd.s32 $0xFFFFFF80  }
0x69: {  	[tilespmem:s15], [sflag:$0x2] =	stream.linear.gather [hbm4b:s25+s3], $0x100, $0x38;
	[tilespmem:$0x780] =	vst v63  }
0x6a: {  	_ =	swait.ge [sflag:s16], $0x100  }
0x6b: {  	[sflag:s16] =	ssyncset.done $0x0  }
0x6c: {  	[sflag:s16] =	ssyncadd.s32 $0xFFFFFF00  }
0x6d: {  	_ =	swait.ge [sflag:s20], $0x100  }
0x6e: {  	[sflag:s20] =	ssyncset.done $0x0  }
0x6f: {  	[sflag:s20] =	ssyncadd.s32 $0xFFFFFF00  }
0x70: {  	[bflag:$0x0] =	sbarrier.arrive $0xFFFF  }
0x71: {  	[tilespmem:s12], [sflag:$0x3] =	stream.linear.gather [spmem:s5], $0x280, $0x38;
	[tilespmem:$0x780] =	vst v63  }
0x72: {  	s22 =	sadd.s32 $0x1, s22;
	_ =	swait.ge [sflag:s13], $0x280  }
0x73: {  	p0 =	sne.s32 s22, s9;
	[sflag:s13] =	ssyncset.done $0x0  }
.Ltmp1:
0x74: {  	[sflag:s13] =	ssyncadd.s32 $0xFFFFFD80;
	(pc) =	sbr.rel @p0 .LBB2_1-.Ltmp1, $4  }
0x75: {  	[hbm4b:s8+s3] =	stream.linear.scatter [tilespmem:s12], [sflag:$0x3], $0x280, $0x38;
	[tilespmem:$0x780] =	vst v63  }
0x76: {  	_ =	swait.ge [sflag:s13], $0x280  }
0x77: {  	[sflag:s13] =	ssyncset.done $0x0  }
0x78: {  	[sflag:s13] =	ssyncadd.s32 $0xFFFFFD80  }
0x79: {  	_ =	sfence.sel $0x180000  }
0x7a: {  	[bflag:$0x0] =	sbarrier.arrive $0xFFFF  }
0x7b: {  	p0 =	sne.s32 s0, $0x0;
	_ =	strace $0x90000047  }
0x7c: {  	s0 =	sadd.s32 @!p0 $0x100000, s1;
	[bflag:$0x2] =	sbarrier.arrive $0xFFFF  }
0x7d: {  	[sflag:s0] =	ssyncadd.tile.s32 @!p0 $0x1;
	_ =	shalt  }
.Lfunc_end2:
_tile_overlayer_lowered:
.L_overlay_start_2:
0x7e: {  	(tag) =	ssettag $0x2  }
0x7f: {  	s0 =	rddreg [dreg:$0x0];
	s2 =	stileid.u32  }
0x80: {  	s1 =	rddreg [dreg:$0x1];
	p0 =	sne.s32 s2, $0x0  }
0x81: {  	s3 =	rddreg [dreg:$0x2];
	[bflag:$0x3] =	sbarrier.arrive $0xFFFF;
	s2 =	simm.s32 @!p0 $0x1C03  }
0x82: {  	[timem:s3], [sflag:s2] =	dma.local @!p0 [hbm:s0], s1  }
0x83: {  	s0 =	simm.s32 @!p0 $0x3  }
0x84: {  	_ =	swait.ge @!p0 [sflag:s0], s1  }
0x85: {  	s1 =	ssub.s32 @!p0 $0x0, s1;
	[sflag:s0] =	ssyncset.done @!p0 $0x0  }
0x86: {  	[sflag:s0] =	ssyncadd.s32 @!p0 s1  }
0x87: {  	[bflag:$0x3] =	sbarrier.arrive $0xFFFF  }
0x88: {  	_ =	shalt  }

</sc_bundles>
